<compile_context>
chip_gen: v7x
topology: tpu7x:2x2x1
jax: 0.10.2.dev20260603
libtpu: 0.0.44.dev20260713+nightly
codegen_flags: <defaults>
</compile_context>

<pallas_src>
import functools

import jax
import jax.numpy as jnp
from jax import lax
from jax.experimental import pallas as pl
from jax.experimental.pallas import tpu as pltpu
from jax.experimental.pallas import tpu_sc as plsc

K = 6
TN = 32
TR = 32
IOU_T = 0.5


def _topk_body(px1, py1, px2, py2, gx1, gy1, gx2, gy2, out):
    mp = gx1.shape[1]
    x1 = jnp.maximum(px1[...], gx1[...])
    y1 = jnp.maximum(py1[...], gy1[...])
    x2 = jnp.minimum(px2[...], gx2[...])
    y2 = jnp.minimum(py2[...], gy2[...])
    inter = jnp.maximum(x2 - x1, 0.0) * jnp.maximum(y2 - y1, 0.0)
    area_p = (px2[...] - px1[...]) * (py2[...] - py1[...])
    area_g = (gx2[...] - gx1[...]) * (gy2[...] - gy1[...])
    iou = inter / (area_p + area_g - inter + 1e-9)
    lanes = lax.broadcasted_iota(jnp.int32, (px1.shape[0], mp), 1)
    sent = jnp.int32(mp)
    idxs = []
    for k in range(K):
        m = jnp.max(iou, axis=1, keepdims=True)
        idx = jnp.min(jnp.where(iou == m, lanes, jnp.int32(mp)), axis=1,
                      keepdims=True)
        idxs.append(jnp.where(m >= IOU_T, idx, sent))
        iou = jnp.where(lanes == idx, -1.0, iou)
    for w in range(K // 2):
        out[:, w : w + 1] = idxs[2 * w] + idxs[2 * w + 1] * 65536


def _rank_body(srow, scol, out):
    tr = srow.shape[0]
    np_ = scol.shape[1]
    pid = pl.program_id(0)
    row_id = pid * tr + lax.broadcasted_iota(jnp.int32, (tr, 1), 0)
    col_id = lax.broadcasted_iota(jnp.int32, (1, np_), 1)
    sr = srow[...]
    sc = scol[...]
    gt = sc > sr
    tie = jnp.logical_and(sc == sr, col_id < row_id)
    cnt = jnp.where(jnp.logical_or(gt, tie), jnp.int32(1), jnp.int32(0))
    out[...] = jnp.sum(cnt, axis=1, keepdims=True)


def _make_sc_match(n, m, nkw):
    mesh = plsc.VectorSubcoreMesh(
        core_axis_name="c", subcore_axis_name="s", num_cores=2,
        num_subcores=16)
    m_pad = ((m + 16) // 16) * 16
    kw = K // 2
    chunk = 2000

    @functools.partial(
        pl.kernel,
        out_type=jax.ShapeDtypeStruct((16,), jnp.float32),
        mesh=mesh,
        compiler_params=pltpu.CompilerParams(needs_layout_passes=False),
        scratch_types=[
            pltpu.VMEM((n + 16,), jnp.int32),
            pltpu.VMEM((nkw,), jnp.int32),
            pltpu.VMEM((m_pad,), jnp.int32),
            pltpu.VMEM((m_pad,), jnp.int32),
            pltpu.VMEM((chunk,), jnp.int32),
            pltpu.VMEM((16,), jnp.int32),
            pltpu.VMEM((16,), jnp.float32),
        ],
    )
    def sc_match(rank_hbm, cand_hbm, th_hbm, out_hbm, work_v, cand_v,
                 matched_v, ptp_v, rbuf_v, th_v, obuf_v):
        wid = lax.axis_index("s") * 2 + lax.axis_index("c")

        @pl.when(wid == 0)
        def _():
            pltpu.sync_copy(cand_hbm, cand_v)
            pltpu.sync_copy(th_hbm, th_v)

            def zero_body(i, _):
                matched_v[pl.ds(i * 16, 16)] = jnp.zeros((16,), jnp.int32)
                return 0
            lax.fori_loop(0, m_pad // 16, zero_body, 0)

            iota16 = lax.iota(jnp.int32, 16)
            lane0 = iota16 == 0
            sent = jnp.int32(32767)

            def inv_chunk(c, _):
                pltpu.sync_copy(rank_hbm.at[pl.ds(c * chunk, chunk)], rbuf_v)

                def inv_body(j, _):
                    r16 = rbuf_v[pl.ds(j * 16, 16)]
                    ids = c * chunk + j * 16 + iota16
                    c16 = plsc.load_gather(cand_v, [ids * kw])
                    fl = jnp.bitwise_and(c16, jnp.int32(65535)) < m
                    plsc.store_scatter(work_v, [r16],
                                       jnp.where(fl, ids, sent))
                    return 0
                lax.fori_loop(0, chunk // 16, inv_body, 0)
                return 0
            lax.fori_loop(0, n // chunk, inv_chunk, 0)

            def comp_body(j, nc):
                v16 = work_v[pl.ds(j * 16, 16)]
                fl = v16 < sent
                incl = plsc.cumsum(jnp.where(fl, jnp.int32(1), jnp.int32(0)))
                pos = jnp.where(fl, nc + incl - 1, 0)
                packed = (j * 16 + iota16) * 32768 + v16
                plsc.store_scatter(work_v, [pos], packed, mask=fl)
                return nc + incl[15]
            nc = lax.fori_loop(0, n // 16, comp_body, jnp.int32(0))

            def step(ii, t):
                pk = plsc.load_gather(work_v, [jnp.full((16,), ii, jnp.int32)])
                packed = pk[0]
                p = jnp.bitwise_and(packed, jnp.int32(32767))
                gpos = lax.shift_right_logical(packed, jnp.int32(15))
                cidx = jnp.where(
                    iota16 < K,
                    p * kw + lax.shift_right_logical(iota16, jnp.int32(1)), 0)
                cw = plsc.load_gather(cand_v, [cidx])
                lo = jnp.bitwise_and(cw, jnp.int32(65535))
                hi = lax.shift_right_logical(cw, jnp.int32(16))
                cands = jnp.where(
                    jnp.bitwise_and(iota16, jnp.int32(1)) == 1, hi, lo)
                cands = jnp.where(iota16 < K, cands, jnp.int32(m))
                valid = cands < m
                mstat = plsc.load_gather(
                    matched_v, [jnp.where(valid, cands, 0)])
                fv = jnp.logical_and(valid, mstat == 0)
                cnt = plsc.all_reduce_population_count(fv)
                ffs = plsc.all_reduce_ffs(fv)
                gsel = jnp.where(iota16 == ffs, cands, 0)
                g = jnp.max(gsel)
                hit = jnp.max(cnt) > 0

                @pl.when(hit)
                def _():
                    plsc.store_scatter(
                        matched_v, [jnp.full((16,), g, jnp.int32)],
                        jnp.ones((16,), jnp.int32), mask=lane0)
                    plsc.store_scatter(
                        ptp_v, [jnp.full((16,), t + 1, jnp.int32)],
                        jnp.full((16,), gpos + 1, jnp.int32), mask=lane0)

                return t + jnp.where(hit, jnp.int32(1), jnp.int32(0))

            total_tp = lax.fori_loop(0, nc, step, jnp.int32(0))

            jm = th_v[...]

            def ap_body(jj, carry):
                rmax, ans = carry
                j = total_tp - jj
                jv = jnp.full((16,), j, jnp.int32)
                pjv = plsc.load_gather(ptp_v, [jv])
                pr = jv.astype(jnp.float32) / pjv.astype(jnp.float32)
                rmax = jnp.maximum(rmax, pr)
                ans = jnp.where(jv >= jm, rmax, ans)
                return rmax, ans

            _, ans = lax.fori_loop(
                0, total_tp, ap_body,
                (jnp.zeros((16,), jnp.float32),
                 jnp.zeros((16,), jnp.float32)))
            w = jnp.where(iota16 < 11, jnp.float32(1.0), jnp.float32(0.0))
            apsum = jnp.sum(ans * w, axis=0)
            apv = jnp.full((16,), apsum) / jnp.full((16,), jnp.float32(11.0))
            obuf_v[...] = apv
            pltpu.sync_copy(obuf_v, out_hbm)

    return sc_match


def kernel(pred_scores, pred_boxes, pred_labels, gt_boxes):
    n = pred_boxes.shape[0]
    m = gt_boxes.shape[0]
    mp = ((m + 127) // 128) * 128
    np_ = ((n + 127) // 128) * 128

    pxy = [pred_boxes[:, c : c + 1] for c in range(4)]
    gpad = jnp.full((mp - m, 4), 3e9, jnp.float32)
    gt_p = jnp.concatenate([gt_boxes, gpad], axis=0)
    gxy = [gt_p[:, c].reshape(1, mp) for c in range(4)]

    cand = pl.pallas_call(
        _topk_body,
        grid=(n // TN,),
        in_specs=[pl.BlockSpec((TN, 1), lambda i: (i, 0))] * 4
        + [pl.BlockSpec((1, mp), lambda i: (0, 0))] * 4,
        out_specs=pl.BlockSpec((TN, K // 2), lambda i: (i, 0)),
        out_shape=jax.ShapeDtypeStruct((n, K // 2), jnp.int32),
    )(*pxy, *gxy)

    s_col = jnp.concatenate(
        [pred_scores, jnp.full((np_ - n,), -1.0, jnp.float32)]).reshape(1, np_)
    rank = pl.pallas_call(
        _rank_body,
        grid=(n // TR,),
        in_specs=[
            pl.BlockSpec((TR, 1), lambda i: (i, 0)),
            pl.BlockSpec((1, np_), lambda i: (0, 0)),
        ],
        out_specs=pl.BlockSpec((TR, 1), lambda i: (i, 0)),
        out_shape=jax.ShapeDtypeStruct((n, 1), jnp.int32),
    )(pred_scores.reshape(n, 1), s_col)

    th11 = jnp.linspace(0.0, 1.0, 11).astype(jnp.float32)
    rec = jnp.arange(0, m + 1, dtype=jnp.int32).astype(jnp.float32) / (
        jnp.maximum(jnp.float32(m), 1.0))
    jmin = jnp.sum((rec[None, :] < th11[:, None]).astype(jnp.int32), axis=1)
    jm16 = jnp.concatenate([jmin, jnp.full((5,), m + 2, jnp.int32)])

    sc = _make_sc_match(n, m, n * (K // 2))
    ap16 = sc(rank.reshape(n), cand.reshape(n * (K // 2)), jm16)
    return ap16[0]

# --- scband reference (transcript-rebuilt; emitter-appended) ---
"""Pipeline reference for scband-m-ap-bev-87316685128093 (READ-ONLY COPY).

The authoritative reference and input builder live on the scoring server;
editing this copy changes nothing except your own understanding.
"""

import jax, jax.numpy as jnp
import numpy as np
from jax import lax


def _make_boxes(key, n, lo=0.0, hi=100.0):
    k1, k2 = jax.random.split(key)
    centers = jax.random.uniform(k1, (n, 2), minval=lo, maxval=hi)
    sizes = jax.random.uniform(k2, (n, 2), minval=1.0, maxval=5.0)
    return jnp.concatenate([centers - sizes / 2.0, centers + sizes / 2.0], axis=1).astype(jnp.float32)


def setup_inputs(seed: int = 0) -> dict:
    key = jax.random.key(seed)
    k1, k2, k3, k4 = jax.random.split(key, 4)
    N, M = 20000, 5000
    pred_boxes = _make_boxes(k1, N)
    gt_boxes = _make_boxes(k2, M)
    pred_scores = jax.random.uniform(k3, (N,), dtype=jnp.float32)
    pred_labels = jax.random.randint(k4, (N,), 0, 10).astype(jnp.int64)
    return {"pred_scores": pred_scores, "pred_boxes": pred_boxes, "pred_labels": pred_labels, "gt_boxes": gt_boxes}


def _iou_row(box, gt_boxes):
    x1 = jnp.maximum(box[0], gt_boxes[:, 0])
    y1 = jnp.maximum(box[1], gt_boxes[:, 1])
    x2 = jnp.minimum(box[2], gt_boxes[:, 2])
    y2 = jnp.minimum(box[3], gt_boxes[:, 3])
    inter = jnp.clip(x2 - x1, 0.0) * jnp.clip(y2 - y1, 0.0)
    area_p = (box[2] - box[0]) * (box[3] - box[1])
    area_g = (gt_boxes[:, 2] - gt_boxes[:, 0]) * (gt_boxes[:, 3] - gt_boxes[:, 1])
    return inter / (area_p + area_g - inter + 1e-9)


def _map_pascal_voc(pred_scores, pred_boxes, gt_boxes, iou_thresh=0.5):
    # sort predictions by descending confidence (gather)
    order = jnp.argsort(-pred_scores)
    boxes_sorted = pred_boxes[order]
    M = gt_boxes.shape[0]

    def step(matched, box):
        iou = _iou_row(box, gt_boxes)
        iou = jnp.where(matched > 0.5, -1.0, iou)  # mask already-matched gt
        best = jnp.argmax(iou)
        best_iou = iou[best]
        is_tp = (best_iou >= iou_thresh).astype(jnp.float32)
        matched = matched.at[best].max(is_tp)  # scatter-max
        return matched, is_tp

    _, tp = lax.scan(step, jnp.zeros((M,), jnp.float32), boxes_sorted)
    fp = 1.0 - tp
    cum_tp = jnp.cumsum(tp)
    cum_fp = jnp.cumsum(fp)
    recall = cum_tp / jnp.maximum(jnp.float32(M), 1.0)
    precision = cum_tp / jnp.maximum(cum_tp + cum_fp, 1e-9)
    # 11-point Pascal VOC interpolation
    thresholds = jnp.linspace(0.0, 1.0, 11)

    def prec_at(t):
        return jnp.max(jnp.where(recall >= t, precision, 0.0))

    ap = jnp.mean(jax.vmap(prec_at)(thresholds))
    return ap


def reference(pred_scores, pred_boxes, pred_labels, gt_boxes):
    # pred tuple = (class probits, BEV boxes, labels); gt = BEV boxes.
    # mAP_pascal_voc over BEV-projected boxes (axis-aligned IoU).
    return _map_pascal_voc(pred_scores, pred_boxes, gt_boxes)

if __name__ == "__main__":
    import jax
    _d = setup_inputs()
    print(jax.jit(kernel)(*tuple(_d.values())))

</pallas_src>

<mosaic_0001>
#map = affine_map<(d0, d1) -> (0)>
module attributes {stable_mosaic.version = 14 : i64} {
  func.func @sc_match(%arg0: i32, %arg1: i32, %arg2: memref<20000xi32, #tpu.memory_space<hbm>>, %arg3: memref<60000xi32, #tpu.memory_space<hbm>>, %arg4: memref<16xi32, #tpu.memory_space<hbm>>, %arg5: memref<16xf32, #tpu.memory_space<hbm>>, %arg6: memref<20016xi32, #tpu.memory_space<vmem>>, %arg7: memref<60000xi32, #tpu.memory_space<vmem>>, %arg8: memref<5008xi32, #tpu.memory_space<vmem>>, %arg9: memref<5008xi32, #tpu.memory_space<vmem>>, %arg10: memref<2000xi32, #tpu.memory_space<vmem>>, %arg11: memref<16xi32, #tpu.memory_space<vmem>>, %arg12: memref<16xf32, #tpu.memory_space<vmem>>) attributes {dimension_semantics = [#tpu.dimension_semantics<core_parallel>, #tpu.dimension_semantics<subcore_parallel>], iteration_bounds = array<i64: 2, 16>, scalar_prefetch = 0 : i64, scratch_operands = 7 : i64, tpu.core_type = #tpu.core_type<sc_vector_subcore>, window_params = [{transform_indices = #map}, {transform_indices = #map}, {transform_indices = #map}, {transform_indices = #map}]} {
    %mul3A = arith.constant 2 : i32
    %mul3A_0 = arith.muli %arg1, %mul3A : i32
    %add3A = arith.addi %mul3A_0, %arg0 : i32
    %eq3A = arith.constant 0 : i32
    %eq3A_1 = arith.cmpi eq, %add3A, %eq3A : i32
    %convert_element_type3A = arith.extui %eq3A_1 : i1 to i32
    %cond3A = arith.constant 0 : i32
    %cond3A_2 = arith.cmpi ne, %convert_element_type3A, %cond3A : i32
    scf.if %cond3A_2 {
      "tpu.region"() ({
        %run_scoped3A = tpu.sem_alloc : memref<!tpu.dma_semaphore, #tpu.memory_space<semaphore_mem>>
        tpu.enqueue_dma source(%arg3 : memref<60000xi32, #tpu.memory_space<hbm>>) target(%arg7 : memref<60000xi32, #tpu.memory_space<vmem>>) target_semaphore(%run_scoped3A : memref<!tpu.dma_semaphore, #tpu.memory_space<semaphore_mem>>)
        tpu.wait_dma2 semaphore(%run_scoped3A : memref<!tpu.dma_semaphore, #tpu.memory_space<semaphore_mem>>) src(%arg3 : memref<60000xi32, #tpu.memory_space<hbm>>) dst(%arg7 : memref<60000xi32, #tpu.memory_space<vmem>>)
        tpu.yield
      }) : () -> ()
      "tpu.region"() ({
        %run_scoped3A = tpu.sem_alloc : memref<!tpu.dma_semaphore, #tpu.memory_space<semaphore_mem>>
        tpu.enqueue_dma source(%arg4 : memref<16xi32, #tpu.memory_space<hbm>>) target(%arg11 : memref<16xi32, #tpu.memory_space<vmem>>) target_semaphore(%run_scoped3A : memref<!tpu.dma_semaphore, #tpu.memory_space<semaphore_mem>>)
        tpu.wait_dma2 semaphore(%run_scoped3A : memref<!tpu.dma_semaphore, #tpu.memory_space<semaphore_mem>>) src(%arg4 : memref<16xi32, #tpu.memory_space<hbm>>) dst(%arg11 : memref<16xi32, #tpu.memory_space<vmem>>)
        tpu.yield
      }) : () -> ()
      %scan3A = arith.constant 0 : i32
      %scan3A_3 = arith.constant 0 : i32
      %scan3A_4 = arith.constant 313 : i32
      %scan3A_5 = arith.addi %scan3A_3, %scan3A_4 : i32
      %scan3A_6 = arith.constant 1 : i32
      %scan3A_7 = scf.for %scan3A_67 = %scan3A_3 to %scan3A_5 step %scan3A_6 iter_args(%scan3A_68 = %scan3A) -> (i32)  : i32 {
        %broadcast_in_dim3A_69 = arith.constant 0 : i32
        %broadcast_in_dim3A_70 = vector.broadcast %broadcast_in_dim3A_69 : i32 to vector<16xi32>
        %mul3A_71 = arith.constant 16 : i32
        %mul3A_72 = arith.muli %scan3A_67, %mul3A_71 : i32
        %swap3A_73 = arith.index_cast %mul3A_72 : i32 to index
        %swap3A_74 = tpu.vector_load %arg8[%swap3A_73] {strides = array<i32>} : memref<5008xi32, #tpu.memory_space<vmem>>, vector<16xi32>,
        tpu.vector_store %arg8[%swap3A_73], %broadcast_in_dim3A_70 {strides = array<i32>} : memref<5008xi32, #tpu.memory_space<vmem>>, vector<16xi32>,
        %scan3A_75 = arith.constant 0 : i32
        scf.yield %scan3A_75 : i32
      }
      %scan3A_8 = arith.constant 313 : i32
      %iota3A = tpu.iota {dimensions = array<i32: 0>} : vector<16xi32>
      %eq3A_9 = arith.constant 0 : i32
      %eq3A_10 = vector.broadcast %eq3A_9 : i32 to vector<16xi32>
      %eq3A_11 = arith.cmpi eq, %iota3A, %eq3A_10 : vector<16xi32>
      %scan3A_12 = arith.constant 32767 : i32
      %scan3A_13 = arith.constant 0 : i32
      %scan3A_14 = arith.constant 0 : i32
      %scan3A_15 = arith.constant 10 : i32
      %scan3A_16 = arith.addi %scan3A_14, %scan3A_15 : i32
      %scan3A_17 = arith.constant 1 : i32
      %scan3A_18 = scf.for %scan3A_67 = %scan3A_14 to %scan3A_16 step %scan3A_17 iter_args(%scan3A_68 = %scan3A_13) -> (i32)  : i32 {
        %mul3A_69 = arith.constant 2000 : i32
        %mul3A_70 = arith.muli %scan3A_67, %mul3A_69 : i32
        "tpu.region"() ({
          %run_scoped3A = tpu.sem_alloc : memref<!tpu.dma_semaphore, #tpu.memory_space<semaphore_mem>>
          %dma_start3A = tpu.memref_slice %arg2[%mul3A_70] : memref<20000xi32, #tpu.memory_space<hbm>> -> memref<2000xi32, #tpu.memory_space<hbm>>
          %dma_start3A_79 = tpu.memref_slice %arg2[%mul3A_70] : memref<20000xi32, #tpu.memory_space<hbm>> -> memref<2000xi32, #tpu.memory_space<hbm>>
          tpu.enqueue_dma source(%dma_start3A_79 : memref<2000xi32, #tpu.memory_space<hbm>>) target(%arg10 : memref<2000xi32, #tpu.memory_space<vmem>>) target_semaphore(%run_scoped3A : memref<!tpu.dma_semaphore, #tpu.memory_space<semaphore_mem>>)
          %dma_wait3A = tpu.memref_slice %arg2[%mul3A_70] : memref<20000xi32, #tpu.memory_space<hbm>> -> memref<2000xi32, #tpu.memory_space<hbm>>
          %dma_wait3A_80 = tpu.memref_slice %arg2[%mul3A_70] : memref<20000xi32, #tpu.memory_space<hbm>> -> memref<2000xi32, #tpu.memory_space<hbm>>
          tpu.wait_dma2 semaphore(%run_scoped3A : memref<!tpu.dma_semaphore, #tpu.memory_space<semaphore_mem>>) src(%dma_wait3A_80 : memref<2000xi32, #tpu.memory_space<hbm>>) dst(%arg10 : memref<2000xi32, #tpu.memory_space<vmem>>)
          tpu.yield
        }) : () -> ()
        %scan3A_71 = arith.constant 0 : i32
        %scan3A_72 = arith.constant 0 : i32
        %scan3A_73 = arith.constant 125 : i32
        %scan3A_74 = arith.addi %scan3A_72, %scan3A_73 : i32
        %scan3A_75 = arith.constant 1 : i32
        %scan3A_76 = scf.for %scan3A_79 = %scan3A_72 to %scan3A_74 step %scan3A_75 iter_args(%scan3A_80 = %scan3A_71) -> (i32)  : i32 {
          %mul3A_81 = arith.constant 16 : i32
          %mul3A_82 = arith.muli %scan3A_79, %mul3A_81 : i32
          %get3A_83 = arith.index_cast %mul3A_82 : i32 to index
          %get3A_84 = tpu.vector_load %arg10[%get3A_83] {strides = array<i32>} : memref<2000xi32, #tpu.memory_space<vmem>>, vector<16xi32>,
          %mul3A_85 = arith.constant 2000 : i32
          %mul3A_86 = arith.muli %scan3A_67, %mul3A_85 : i32
          %mul3A_87 = arith.constant 16 : i32
          %mul3A_88 = arith.muli %scan3A_79, %mul3A_87 : i32
          %add3A_89 = arith.addi %mul3A_86, %mul3A_88 : i32
          %add3A_90 = vector.broadcast %add3A_89 : i32 to vector<16xi32>
          %add3A_91 = arith.addi %add3A_90, %iota3A : vector<16xi32>
          %mul3A_92 = arith.constant 3 : i32
          %mul3A_93 = vector.broadcast %mul3A_92 : i32 to vector<16xi32>
          %mul3A_94 = arith.muli %add3A_91, %mul3A_93 : vector<16xi32>
          %gather3A = tpu.vector_load_idx %arg7[%mul3A_94] : memref<60000xi32, #tpu.memory_space<vmem>>[vector<16xi32>], vector<16xi32>,
          %and3A = arith.constant 65535 : i32
          %and3A_95 = vector.broadcast %and3A : i32 to vector<16xi32>
          %and3A_96 = arith.andi %gather3A, %and3A_95 : vector<16xi32>
          %lt3A_97 = arith.constant 5000 : i32
          %lt3A_98 = vector.broadcast %lt3A_97 : i32 to vector<16xi32>
          %lt3A_99 = arith.cmpi slt, %and3A_96, %lt3A_98 : vector<16xi32>
          %broadcast_in_dim3A_100 = vector.broadcast %scan3A_12 : i32 to vector<16xi32>
          %select_n3A_101 = arith.select %lt3A_99, %add3A_91, %broadcast_in_dim3A_100 : vector<16xi1>, vector<16xi32>
          tpu.vector_store_idx %arg6[%get3A_84], %select_n3A_101 : memref<20016xi32, #tpu.memory_space<vmem>>[vector<16xi32>], vector<16xi32>,
          %scan3A_102 = arith.constant 0 : i32
          scf.yield %scan3A_102 : i32
        }
        %scan3A_77 = arith.constant 125 : i32
        %scan3A_78 = arith.constant 0 : i32
        scf.yield %scan3A_78 : i32
      }
      %scan3A_19 = arith.constant 10 : i32
      %scan3A_20 = arith.constant 32767 : i32
      %scan3A_21 = arith.constant 0 : i32
      %scan3A_22 = arith.constant 0 : i32
      %scan3A_23 = arith.constant 1250 : i32
      %scan3A_24 = arith.addi %scan3A_22, %scan3A_23 : i32
      %scan3A_25 = arith.constant 1 : i32
      %scan3A_26 = scf.for %scan3A_67 = %scan3A_22 to %scan3A_24 step %scan3A_25 iter_args(%scan3A_68 = %scan3A_21) -> (i32)  : i32 {
        %mul3A_69 = arith.constant 16 : i32
        %mul3A_70 = arith.muli %scan3A_67, %mul3A_69 : i32
        %get3A_71 = arith.index_cast %mul3A_70 : i32 to index
        %get3A_72 = tpu.vector_load %arg6[%get3A_71] {strides = array<i32>} : memref<20016xi32, #tpu.memory_space<vmem>>, vector<16xi32>,
        %lt3A_73 = vector.broadcast %scan3A_20 : i32 to vector<16xi32>
        %lt3A_74 = arith.cmpi slt, %get3A_72, %lt3A_73 : vector<16xi32>
        %jit3A_75 = arith.constant 1 : i32
        %jit3A_76 = arith.constant 0 : i32
        %broadcast_in_dim3A_77 = vector.broadcast %jit3A_75 : i32 to vector<16xi32>
        %broadcast_in_dim3A_78 = vector.broadcast %jit3A_76 : i32 to vector<16xi32>
        %select_n3A_79 = arith.select %lt3A_74, %broadcast_in_dim3A_77, %broadcast_in_dim3A_78 : vector<16xi1>, vector<16xi32>
        %broadcast_in_dim3A_80 = arith.constant true
        %broadcast_in_dim3A_81 = vector.broadcast %broadcast_in_dim3A_80 : i1 to vector<16xi1>
        %masked_cumsum3A = tpu.scan <sum>, %select_n3A_79 masked %broadcast_in_dim3A_81 : vector<16xi32>, vector<16xi1> -> vector<16xi32>
        %add3A_82 = vector.broadcast %scan3A_68 : i32 to vector<16xi32>
        %add3A_83 = arith.addi %add3A_82, %masked_cumsum3A : vector<16xi32>
        %sub3A = arith.constant 1 : i32
        %sub3A_84 = vector.broadcast %sub3A : i32 to vector<16xi32>
        %sub3A_85 = arith.subi %add3A_83, %sub3A_84 : vector<16xi32>
        %jit3A_86 = arith.constant 0 : i32
        %broadcast_in_dim3A_87 = vector.broadcast %jit3A_86 : i32 to vector<16xi32>
        %select_n3A_88 = arith.select %lt3A_74, %sub3A_85, %broadcast_in_dim3A_87 : vector<16xi1>, vector<16xi32>
        %mul3A_89 = arith.constant 16 : i32
        %mul3A_90 = arith.muli %scan3A_67, %mul3A_89 : i32
        %add3A_91 = vector.broadcast %mul3A_90 : i32 to vector<16xi32>
        %add3A_92 = arith.addi %add3A_91, %iota3A : vector<16xi32>
        %mul3A_93 = arith.constant 32768 : i32
        %mul3A_94 = vector.broadcast %mul3A_93 : i32 to vector<16xi32>
        %mul3A_95 = arith.muli %add3A_92, %mul3A_94 : vector<16xi32>
        %add3A_96 = arith.addi %mul3A_95, %get3A_72 : vector<16xi32>
        tpu.vector_store_idx %arg6[%select_n3A_88], %add3A_96 masked %lt3A_74 : memref<20016xi32, #tpu.memory_space<vmem>>[vector<16xi32>], vector<16xi32>, vector<16xi1>
        %slice3A = vector.extract_strided_slice %masked_cumsum3A {offsets = [15], sizes = [1], strides = [1]} : vector<16xi32> to vector<1xi32>
        %squeeze3A = vector.extract %slice3A[0] : i32 from vector<1xi32>
        %add3A_97 = arith.addi %scan3A_68, %squeeze3A : i32
        scf.yield %add3A_97 : i32
      }
      %scan3A_27 = arith.constant 1250 : i32
      %while3A = arith.constant 0 : i32
      %while3A_28 = arith.constant 0 : i32
      %while3A_29 = arith.subi %scan3A_26, %while3A : i32
      %while3A_30 = arith.addi %while3A, %while3A_29 : i32
      %while3A_31 = arith.constant 1 : i32
      %while3A_32 = arith.divsi %while3A_29, %while3A_31 : i32
      %while3A_33 = arith.muli %while3A_32, %while3A_31 : i32
      %while3A_34 = arith.addi %while3A, %while3A_33 : i32
      %while3A_35 = arith.constant 1 : i32
      %while3A_36 = scf.for %while3A_67 = %while3A to %while3A_34 step %while3A_35 iter_args(%while3A_68 = %while3A_28) -> (i32)  : i32 {
        %broadcast_in_dim3A_69 = vector.broadcast %while3A_67 : i32 to vector<16xi32>
        %gather3A = tpu.vector_load_idx %arg6[%broadcast_in_dim3A_69] : memref<20016xi32, #tpu.memory_space<vmem>>[vector<16xi32>], vector<16xi32>,
        %slice3A = vector.extract_strided_slice %gather3A {offsets = [0], sizes = [1], strides = [1]} : vector<16xi32> to vector<1xi32>
        %squeeze3A = vector.extract %slice3A[0] : i32 from vector<1xi32>
        %and3A = arith.constant 32767 : i32
        %and3A_70 = arith.andi %squeeze3A, %and3A : i32
        %shift_right_logical3A = arith.constant 15 : i32
        %shift_right_logical3A_71 = arith.shrui %squeeze3A, %shift_right_logical3A : i32
        %lt3A_72 = arith.constant 6 : i32
        %lt3A_73 = vector.broadcast %lt3A_72 : i32 to vector<16xi32>
        %lt3A_74 = arith.cmpi slt, %iota3A, %lt3A_73 : vector<16xi32>
        %mul3A_75 = arith.constant 3 : i32
        %mul3A_76 = arith.muli %and3A_70, %mul3A_75 : i32
        %shift_right_logical3A_77 = arith.constant 1 : i32
        %shift_right_logical3A_78 = vector.broadcast %shift_right_logical3A_77 : i32 to vector<16xi32>
        %shift_right_logical3A_79 = arith.shrui %iota3A, %shift_right_logical3A_78 : vector<16xi32>
        %add3A_80 = vector.broadcast %mul3A_76 : i32 to vector<16xi32>
        %add3A_81 = arith.addi %add3A_80, %shift_right_logical3A_79 : vector<16xi32>
        %jit3A_82 = arith.constant 0 : i32
        %broadcast_in_dim3A_83 = vector.broadcast %jit3A_82 : i32 to vector<16xi32>
        %select_n3A_84 = arith.select %lt3A_74, %add3A_81, %broadcast_in_dim3A_83 : vector<16xi1>, vector<16xi32>
        %gather3A_85 = tpu.vector_load_idx %arg7[%select_n3A_84] : memref<60000xi32, #tpu.memory_space<vmem>>[vector<16xi32>], vector<16xi32>,
        %and3A_86 = arith.constant 65535 : i32
        %and3A_87 = vector.broadcast %and3A_86 : i32 to vector<16xi32>
        %and3A_88 = arith.andi %gather3A_85, %and3A_87 : vector<16xi32>
        %shift_right_logical3A_89 = arith.constant 16 : i32
        %shift_right_logical3A_90 = vector.broadcast %shift_right_logical3A_89 : i32 to vector<16xi32>
        %shift_right_logical3A_91 = arith.shrui %gather3A_85, %shift_right_logical3A_90 : vector<16xi32>
        %and3A_92 = arith.constant 1 : i32
        %and3A_93 = vector.broadcast %and3A_92 : i32 to vector<16xi32>
        %and3A_94 = arith.andi %iota3A, %and3A_93 : vector<16xi32>
        %eq3A_95 = arith.constant 1 : i32
        %eq3A_96 = vector.broadcast %eq3A_95 : i32 to vector<16xi32>
        %eq3A_97 = arith.cmpi eq, %and3A_94, %eq3A_96 : vector<16xi32>
        %select_n3A_98 = arith.select %eq3A_97, %shift_right_logical3A_91, %and3A_88 : vector<16xi1>, vector<16xi32>
        %lt3A_99 = arith.constant 6 : i32
        %lt3A_100 = vector.broadcast %lt3A_99 : i32 to vector<16xi32>
        %lt3A_101 = arith.cmpi slt, %iota3A, %lt3A_100 : vector<16xi32>
        %jit3A_102 = arith.constant 5000 : i32
        %broadcast_in_dim3A_103 = vector.broadcast %jit3A_102 : i32 to vector<16xi32>
        %select_n3A_104 = arith.select %lt3A_101, %select_n3A_98, %broadcast_in_dim3A_103 : vector<16xi1>, vector<16xi32>
        %lt3A_105 = arith.constant 5000 : i32
        %lt3A_106 = vector.broadcast %lt3A_105 : i32 to vector<16xi32>
        %lt3A_107 = arith.cmpi slt, %select_n3A_104, %lt3A_106 : vector<16xi32>
        %jit3A_108 = arith.constant 0 : i32
        %broadcast_in_dim3A_109 = vector.broadcast %jit3A_108 : i32 to vector<16xi32>
        %select_n3A_110 = arith.select %lt3A_107, %select_n3A_104, %broadcast_in_dim3A_109 : vector<16xi1>, vector<16xi32>
        %gather3A_111 = tpu.vector_load_idx %arg8[%select_n3A_110] : memref<5008xi32, #tpu.memory_space<vmem>>[vector<16xi32>], vector<16xi32>,
        %eq3A_112 = arith.constant 0 : i32
        %eq3A_113 = vector.broadcast %eq3A_112 : i32 to vector<16xi32>
        %eq3A_114 = arith.cmpi eq, %gather3A_111, %eq3A_113 : vector<16xi32>
        %and3A_115 = arith.andi %lt3A_107, %eq3A_114 : vector<16xi1>
        %all_reduce_population_count3A = tpu.all_reduce %and3A_115 {dim = 0 : i64, kind = #tpu.reduction_kind<sum>} : vector<16xi1> -> vector<16xi32>
        %all_reduce_ffs3A = tpu.all_reduce %and3A_115 {dim = 0 : i64, kind = #tpu.reduction_kind<find_first_set>} : vector<16xi1> -> vector<16xi32>
        %eq3A_116 = arith.cmpi eq, %iota3A, %all_reduce_ffs3A : vector<16xi32>
        %jit3A_117 = arith.constant 0 : i32
        %broadcast_in_dim3A_118 = vector.broadcast %jit3A_117 : i32 to vector<16xi32>
        %select_n3A_119 = arith.select %eq3A_116, %select_n3A_104, %broadcast_in_dim3A_118 : vector<16xi1>, vector<16xi32>
        %reduce_max3A = arith.constant true
        %reduce_max3A_120 = vector.broadcast %reduce_max3A : i1 to vector<16xi1>
        %reduce_max3A_121 = arith.constant -2147483648 : i32
        %reduce_max3A_122 = vector.broadcast %reduce_max3A_121 : i32 to vector<16xi32>
        %reduce_max3A_123 = arith.xori %select_n3A_119, %reduce_max3A_122 : vector<16xi32>
        %reduce_max3A_124 = tpu.scan <max>, %reduce_max3A_123 masked %reduce_max3A_120 : vector<16xi32>, vector<16xi1> -> vector<16xi32>
        %reduce_max3A_125 = arith.xori %reduce_max3A_124, %reduce_max3A_122 : vector<16xi32>
        %reduce_max3A_126 = vector.extract %reduce_max3A_125[15] : i32 from vector<16xi32>
        %reduce_max3A_127 = arith.constant true
        %reduce_max3A_128 = vector.broadcast %reduce_max3A_127 : i1 to vector<16xi1>
        %reduce_max3A_129 = arith.constant -2147483648 : i32
        %reduce_max3A_130 = vector.broadcast %reduce_max3A_129 : i32 to vector<16xi32>
        %reduce_max3A_131 = arith.xori %all_reduce_population_count3A, %reduce_max3A_130 : vector<16xi32>
        %reduce_max3A_132 = tpu.scan <max>, %reduce_max3A_131 masked %reduce_max3A_128 : vector<16xi32>, vector<16xi1> -> vector<16xi32>
        %reduce_max3A_133 = arith.xori %reduce_max3A_132, %reduce_max3A_130 : vector<16xi32>
        %reduce_max3A_134 = vector.extract %reduce_max3A_133[15] : i32 from vector<16xi32>
        %gt3A = arith.constant 0 : i32
        %gt3A_135 = arith.cmpi sgt, %reduce_max3A_134, %gt3A : i32
        %convert_element_type3A_136 = arith.extui %gt3A_135 : i1 to i32
        %cond3A_137 = arith.constant 0 : i32
        %cond3A_138 = arith.cmpi ne, %convert_element_type3A_136, %cond3A_137 : i32
        scf.if %cond3A_138 {
          %broadcast_in_dim3A_143 = vector.broadcast %reduce_max3A_126 : i32 to vector<16xi32>
          %broadcast_in_dim3A_144 = arith.constant 1 : i32
          %broadcast_in_dim3A_145 = vector.broadcast %broadcast_in_dim3A_144 : i32 to vector<16xi32>
          tpu.vector_store_idx %arg8[%broadcast_in_dim3A_143], %broadcast_in_dim3A_145 masked %eq3A_11 : memref<5008xi32, #tpu.memory_space<vmem>>[vector<16xi32>], vector<16xi32>, vector<16xi1>
          %add3A_146 = arith.constant 1 : i32
          %add3A_147 = arith.addi %while3A_68, %add3A_146 : i32
          %broadcast_in_dim3A_148 = vector.broadcast %add3A_147 : i32 to vector<16xi32>
          %add3A_149 = arith.constant 1 : i32
          %add3A_150 = arith.addi %shift_right_logical3A_71, %add3A_149 : i32
          %broadcast_in_dim3A_151 = vector.broadcast %add3A_150 : i32 to vector<16xi32>
          tpu.vector_store_idx %arg9[%broadcast_in_dim3A_148], %broadcast_in_dim3A_151 masked %eq3A_11 : memref<5008xi32, #tpu.memory_space<vmem>>[vector<16xi32>], vector<16xi32>, vector<16xi1>
        } else {
        }
        %jit3A_139 = arith.constant 1 : i32
        %jit3A_140 = arith.constant 0 : i32
        %select_n3A_141 = arith.select %gt3A_135, %jit3A_139, %jit3A_140 : i32
        %add3A_142 = arith.addi %while3A_68, %select_n3A_141 : i32
        scf.yield %add3A_142 : i32
      }
      %while3A_37 = arith.constant 1 : i32
      %while3A_38 = scf.for %while3A_67 = %while3A_34 to %while3A_30 step %while3A_37 iter_args(%while3A_68 = %while3A_36) -> (i32)  : i32 {
        %broadcast_in_dim3A_69 = vector.broadcast %while3A_67 : i32 to vector<16xi32>
        %gather3A = tpu.vector_load_idx %arg6[%broadcast_in_dim3A_69] : memref<20016xi32, #tpu.memory_space<vmem>>[vector<16xi32>], vector<16xi32>,
        %slice3A = vector.extract_strided_slice %gather3A {offsets = [0], sizes = [1], strides = [1]} : vector<16xi32> to vector<1xi32>
        %squeeze3A = vector.extract %slice3A[0] : i32 from vector<1xi32>
        %and3A = arith.constant 32767 : i32
        %and3A_70 = arith.andi %squeeze3A, %and3A : i32
        %shift_right_logical3A = arith.constant 15 : i32
        %shift_right_logical3A_71 = arith.shrui %squeeze3A, %shift_right_logical3A : i32
        %lt3A_72 = arith.constant 6 : i32
        %lt3A_73 = vector.broadcast %lt3A_72 : i32 to vector<16xi32>
        %lt3A_74 = arith.cmpi slt, %iota3A, %lt3A_73 : vector<16xi32>
        %mul3A_75 = arith.constant 3 : i32
        %mul3A_76 = arith.muli %and3A_70, %mul3A_75 : i32
        %shift_right_logical3A_77 = arith.constant 1 : i32
        %shift_right_logical3A_78 = vector.broadcast %shift_right_logical3A_77 : i32 to vector<16xi32>
        %shift_right_logical3A_79 = arith.shrui %iota3A, %shift_right_logical3A_78 : vector<16xi32>
        %add3A_80 = vector.broadcast %mul3A_76 : i32 to vector<16xi32>
        %add3A_81 = arith.addi %add3A_80, %shift_right_logical3A_79 : vector<16xi32>
        %jit3A_82 = arith.constant 0 : i32
        %broadcast_in_dim3A_83 = vector.broadcast %jit3A_82 : i32 to vector<16xi32>
        %select_n3A_84 = arith.select %lt3A_74, %add3A_81, %broadcast_in_dim3A_83 : vector<16xi1>, vector<16xi32>
        %gather3A_85 = tpu.vector_load_idx %arg7[%select_n3A_84] : memref<60000xi32, #tpu.memory_space<vmem>>[vector<16xi32>], vector<16xi32>,
        %and3A_86 = arith.constant 65535 : i32
        %and3A_87 = vector.broadcast %and3A_86 : i32 to vector<16xi32>
        %and3A_88 = arith.andi %gather3A_85, %and3A_87 : vector<16xi32>
        %shift_right_logical3A_89 = arith.constant 16 : i32
        %shift_right_logical3A_90 = vector.broadcast %shift_right_logical3A_89 : i32 to vector<16xi32>
        %shift_right_logical3A_91 = arith.shrui %gather3A_85, %shift_right_logical3A_90 : vector<16xi32>
        %and3A_92 = arith.constant 1 : i32
        %and3A_93 = vector.broadcast %and3A_92 : i32 to vector<16xi32>
        %and3A_94 = arith.andi %iota3A, %and3A_93 : vector<16xi32>
        %eq3A_95 = arith.constant 1 : i32
        %eq3A_96 = vector.broadcast %eq3A_95 : i32 to vector<16xi32>
        %eq3A_97 = arith.cmpi eq, %and3A_94, %eq3A_96 : vector<16xi32>
        %select_n3A_98 = arith.select %eq3A_97, %shift_right_logical3A_91, %and3A_88 : vector<16xi1>, vector<16xi32>
        %lt3A_99 = arith.constant 6 : i32
        %lt3A_100 = vector.broadcast %lt3A_99 : i32 to vector<16xi32>
        %lt3A_101 = arith.cmpi slt, %iota3A, %lt3A_100 : vector<16xi32>
        %jit3A_102 = arith.constant 5000 : i32
        %broadcast_in_dim3A_103 = vector.broadcast %jit3A_102 : i32 to vector<16xi32>
        %select_n3A_104 = arith.select %lt3A_101, %select_n3A_98, %broadcast_in_dim3A_103 : vector<16xi1>, vector<16xi32>
        %lt3A_105 = arith.constant 5000 : i32
        %lt3A_106 = vector.broadcast %lt3A_105 : i32 to vector<16xi32>
        %lt3A_107 = arith.cmpi slt, %select_n3A_104, %lt3A_106 : vector<16xi32>
        %jit3A_108 = arith.constant 0 : i32
        %broadcast_in_dim3A_109 = vector.broadcast %jit3A_108 : i32 to vector<16xi32>
        %select_n3A_110 = arith.select %lt3A_107, %select_n3A_104, %broadcast_in_dim3A_109 : vector<16xi1>, vector<16xi32>
        %gather3A_111 = tpu.vector_load_idx %arg8[%select_n3A_110] : memref<5008xi32, #tpu.memory_space<vmem>>[vector<16xi32>], vector<16xi32>,
        %eq3A_112 = arith.constant 0 : i32
        %eq3A_113 = vector.broadcast %eq3A_112 : i32 to vector<16xi32>
        %eq3A_114 = arith.cmpi eq, %gather3A_111, %eq3A_113 : vector<16xi32>
        %and3A_115 = arith.andi %lt3A_107, %eq3A_114 : vector<16xi1>
        %all_reduce_population_count3A = tpu.all_reduce %and3A_115 {dim = 0 : i64, kind = #tpu.reduction_kind<sum>} : vector<16xi1> -> vector<16xi32>
        %all_reduce_ffs3A = tpu.all_reduce %and3A_115 {dim = 0 : i64, kind = #tpu.reduction_kind<find_first_set>} : vector<16xi1> -> vector<16xi32>
        %eq3A_116 = arith.cmpi eq, %iota3A, %all_reduce_ffs3A : vector<16xi32>
        %jit3A_117 = arith.constant 0 : i32
        %broadcast_in_dim3A_118 = vector.broadcast %jit3A_117 : i32 to vector<16xi32>
        %select_n3A_119 = arith.select %eq3A_116, %select_n3A_104, %broadcast_in_dim3A_118 : vector<16xi1>, vector<16xi32>
        %reduce_max3A = arith.constant true
        %reduce_max3A_120 = vector.broadcast %reduce_max3A : i1 to vector<16xi1>
        %reduce_max3A_121 = arith.constant -2147483648 : i32
        %reduce_max3A_122 = vector.broadcast %reduce_max3A_121 : i32 to vector<16xi32>
        %reduce_max3A_123 = arith.xori %select_n3A_119, %reduce_max3A_122 : vector<16xi32>
        %reduce_max3A_124 = tpu.scan <max>, %reduce_max3A_123 masked %reduce_max3A_120 : vector<16xi32>, vector<16xi1> -> vector<16xi32>
        %reduce_max3A_125 = arith.xori %reduce_max3A_124, %reduce_max3A_122 : vector<16xi32>
        %reduce_max3A_126 = vector.extract %reduce_max3A_125[15] : i32 from vector<16xi32>
        %reduce_max3A_127 = arith.constant true
        %reduce_max3A_128 = vector.broadcast %reduce_max3A_127 : i1 to vector<16xi1>
        %reduce_max3A_129 = arith.constant -2147483648 : i32
        %reduce_max3A_130 = vector.broadcast %reduce_max3A_129 : i32 to vector<16xi32>
        %reduce_max3A_131 = arith.xori %all_reduce_population_count3A, %reduce_max3A_130 : vector<16xi32>
        %reduce_max3A_132 = tpu.scan <max>, %reduce_max3A_131 masked %reduce_max3A_128 : vector<16xi32>, vector<16xi1> -> vector<16xi32>
        %reduce_max3A_133 = arith.xori %reduce_max3A_132, %reduce_max3A_130 : vector<16xi32>
        %reduce_max3A_134 = vector.extract %reduce_max3A_133[15] : i32 from vector<16xi32>
        %gt3A = arith.constant 0 : i32
        %gt3A_135 = arith.cmpi sgt, %reduce_max3A_134, %gt3A : i32
        %convert_element_type3A_136 = arith.extui %gt3A_135 : i1 to i32
        %cond3A_137 = arith.constant 0 : i32
        %cond3A_138 = arith.cmpi ne, %convert_element_type3A_136, %cond3A_137 : i32
        scf.if %cond3A_138 {
          %broadcast_in_dim3A_143 = vector.broadcast %reduce_max3A_126 : i32 to vector<16xi32>
          %broadcast_in_dim3A_144 = arith.constant 1 : i32
          %broadcast_in_dim3A_145 = vector.broadcast %broadcast_in_dim3A_144 : i32 to vector<16xi32>
          tpu.vector_store_idx %arg8[%broadcast_in_dim3A_143], %broadcast_in_dim3A_145 masked %eq3A_11 : memref<5008xi32, #tpu.memory_space<vmem>>[vector<16xi32>], vector<16xi32>, vector<16xi1>
          %add3A_146 = arith.constant 1 : i32
          %add3A_147 = arith.addi %while3A_68, %add3A_146 : i32
          %broadcast_in_dim3A_148 = vector.broadcast %add3A_147 : i32 to vector<16xi32>
          %add3A_149 = arith.constant 1 : i32
          %add3A_150 = arith.addi %shift_right_logical3A_71, %add3A_149 : i32
          %broadcast_in_dim3A_151 = vector.broadcast %add3A_150 : i32 to vector<16xi32>
          tpu.vector_store_idx %arg9[%broadcast_in_dim3A_148], %broadcast_in_dim3A_151 masked %eq3A_11 : memref<5008xi32, #tpu.memory_space<vmem>>[vector<16xi32>], vector<16xi32>, vector<16xi1>
        } else {
        }
        %jit3A_139 = arith.constant 1 : i32
        %jit3A_140 = arith.constant 0 : i32
        %select_n3A_141 = arith.select %gt3A_135, %jit3A_139, %jit3A_140 : i32
        %add3A_142 = arith.addi %while3A_68, %select_n3A_141 : i32
        scf.yield %add3A_142 : i32
      }
      %get3A = arith.constant 0 : index
      %get3A_39 = tpu.vector_load %arg11[%get3A] {strides = array<i32>} : memref<16xi32, #tpu.memory_space<vmem>>, vector<16xi32>,
      %broadcast_in_dim3A = arith.constant 0.000000e+00 : f32
      %broadcast_in_dim3A_40 = vector.broadcast %broadcast_in_dim3A : f32 to vector<16xf32>
      %broadcast_in_dim3A_41 = arith.constant 0.000000e+00 : f32
      %broadcast_in_dim3A_42 = vector.broadcast %broadcast_in_dim3A_41 : f32 to vector<16xf32>
      %while3A_43 = arith.constant 0 : i32
      %while3A_44 = arith.subi %while3A_38, %while3A_43 : i32
      %while3A_45 = arith.addi %while3A_43, %while3A_44 : i32
      %while3A_46 = arith.constant 1 : i32
      %while3A_47 = arith.divsi %while3A_44, %while3A_46 : i32
      %while3A_48 = arith.muli %while3A_47, %while3A_46 : i32
      %while3A_49 = arith.addi %while3A_43, %while3A_48 : i32
      %while3A_50 = arith.constant 1 : i32
      %while3A_51:2 = scf.for %while3A_67 = %while3A_43 to %while3A_49 step %while3A_50 iter_args(%while3A_68 = %broadcast_in_dim3A_40, %while3A_69 = %broadcast_in_dim3A_42) -> (vector<16xf32>, vector<16xf32>)  : i32 {
        %sub3A = arith.subi %while3A_38, %while3A_67 : i32
        %broadcast_in_dim3A_70 = vector.broadcast %sub3A : i32 to vector<16xi32>
        %gather3A = tpu.vector_load_idx %arg9[%broadcast_in_dim3A_70] : memref<5008xi32, #tpu.memory_space<vmem>>[vector<16xi32>], vector<16xi32>,
        %convert_element_type3A_71 = arith.sitofp %broadcast_in_dim3A_70 : vector<16xi32> to vector<16xf32>
        %convert_element_type3A_72 = arith.sitofp %gather3A : vector<16xi32> to vector<16xf32>
        %div3A_73 = arith.divf %convert_element_type3A_71, %convert_element_type3A_72 : vector<16xf32>
        %max3A = arith.maximumf %while3A_68, %div3A_73 : vector<16xf32>
        %ge3A = arith.cmpi sge, %broadcast_in_dim3A_70, %get3A_39 : vector<16xi32>
        %select_n3A_74 = arith.select %ge3A, %max3A, %while3A_69 : vector<16xi1>, vector<16xf32>
        scf.yield %max3A, %select_n3A_74 : vector<16xf32>, vector<16xf32>
      }
      %while3A_52 = arith.constant 1 : i32
      %while3A_53:2 = scf.for %while3A_67 = %while3A_49 to %while3A_45 step %while3A_52 iter_args(%while3A_68 = %while3A_51#0, %while3A_69 = %while3A_51#1) -> (vector<16xf32>, vector<16xf32>)  : i32 {
        %sub3A = arith.subi %while3A_38, %while3A_67 : i32
        %broadcast_in_dim3A_70 = vector.broadcast %sub3A : i32 to vector<16xi32>
        %gather3A = tpu.vector_load_idx %arg9[%broadcast_in_dim3A_70] : memref<5008xi32, #tpu.memory_space<vmem>>[vector<16xi32>], vector<16xi32>,
        %convert_element_type3A_71 = arith.sitofp %broadcast_in_dim3A_70 : vector<16xi32> to vector<16xf32>
        %convert_element_type3A_72 = arith.sitofp %gather3A : vector<16xi32> to vector<16xf32>
        %div3A_73 = arith.divf %convert_element_type3A_71, %convert_element_type3A_72 : vector<16xf32>
        %max3A = arith.maximumf %while3A_68, %div3A_73 : vector<16xf32>
        %ge3A = arith.cmpi sge, %broadcast_in_dim3A_70, %get3A_39 : vector<16xi32>
        %select_n3A_74 = arith.select %ge3A, %max3A, %while3A_69 : vector<16xi1>, vector<16xf32>
        scf.yield %max3A, %select_n3A_74 : vector<16xf32>, vector<16xf32>
      }
      %lt3A = arith.constant 11 : i32
      %lt3A_54 = vector.broadcast %lt3A : i32 to vector<16xi32>
      %lt3A_55 = arith.cmpi slt, %iota3A, %lt3A_54 : vector<16xi32>
      %jit3A = arith.constant 1.000000e+00 : f32
      %jit3A_56 = arith.constant 0.000000e+00 : f32
      %broadcast_in_dim3A_57 = vector.broadcast %jit3A : f32 to vector<16xf32>
      %broadcast_in_dim3A_58 = vector.broadcast %jit3A_56 : f32 to vector<16xf32>
      %select_n3A = arith.select %lt3A_55, %broadcast_in_dim3A_57, %broadcast_in_dim3A_58 : vector<16xi1>, vector<16xf32>
      %mul3A_59 = arith.mulf %while3A_53#1, %select_n3A : vector<16xf32>
      %reduce_sum3A = arith.constant true
      %reduce_sum3A_60 = vector.broadcast %reduce_sum3A : i1 to vector<16xi1>
      %reduce_sum3A_61 = tpu.scan <sum>, %mul3A_59 masked %reduce_sum3A_60 : vector<16xf32>, vector<16xi1> -> vector<16xf32>
      %reduce_sum3A_62 = vector.extract %reduce_sum3A_61[15] : f32 from vector<16xf32>
      %broadcast_in_dim3A_63 = vector.broadcast %reduce_sum3A_62 : f32 to vector<16xf32>
      %broadcast_in_dim3A_64 = arith.constant 1.100000e+01 : f32
      %broadcast_in_dim3A_65 = vector.broadcast %broadcast_in_dim3A_64 : f32 to vector<16xf32>
      %div3A = arith.divf %broadcast_in_dim3A_63, %broadcast_in_dim3A_65 : vector<16xf32>
      %swap3A = arith.constant 0 : index
      %swap3A_66 = tpu.vector_load %arg12[%swap3A] {strides = array<i32>} : memref<16xf32, #tpu.memory_space<vmem>>, vector<16xf32>,
      tpu.vector_store %arg12[%swap3A], %div3A {strides = array<i32>} : memref<16xf32, #tpu.memory_space<vmem>>, vector<16xf32>,
      "tpu.region"() ({
        %run_scoped3A = tpu.sem_alloc : memref<!tpu.dma_semaphore, #tpu.memory_space<semaphore_mem>>
        tpu.enqueue_dma source(%arg12 : memref<16xf32, #tpu.memory_space<vmem>>) target(%arg5 : memref<16xf32, #tpu.memory_space<hbm>>) target_semaphore(%run_scoped3A : memref<!tpu.dma_semaphore, #tpu.memory_space<semaphore_mem>>)
        tpu.wait_dma2 semaphore(%run_scoped3A : memref<!tpu.dma_semaphore, #tpu.memory_space<semaphore_mem>>) src(%arg12 : memref<16xf32, #tpu.memory_space<vmem>>) dst(%arg5 : memref<16xf32, #tpu.memory_space<hbm>>)
        tpu.yield
      }) : () -> ()
    } else {
    }
    return
  }
}

module attributes {stable_mosaic.version = 14 : i64} {
  func.func @_topk_body(%arg0: i32, %arg1: memref<32x1xf32, #tpu.memory_space<vmem>>, %arg2: memref<32x1xf32, #tpu.memory_space<vmem>>, %arg3: memref<32x1xf32, #tpu.memory_space<vmem>>, %arg4: memref<32x1xf32, #tpu.memory_space<vmem>>, %arg5: memref<1x5120xf32, #tpu.memory_space<vmem>>, %arg6: memref<1x5120xf32, #tpu.memory_space<vmem>>, %arg7: memref<1x5120xf32, #tpu.memory_space<vmem>>, %arg8: memref<1x5120xf32, #tpu.memory_space<vmem>>, %arg9: memref<32x3xi32, #tpu.memory_space<vmem>>) attributes {dimension_semantics = [#tpu.dimension_semantics<arbitrary>], iteration_bounds = array<i64: 625>, scalar_prefetch = 0 : i64, scratch_operands = 0 : i64, tpu.core_type = #tpu.core_type<tc>, window_params = [{transform_indices = @transform_0, window_bounds = array<i64: 32, 1>}, {transform_indices = @transform_1, window_bounds = array<i64: 32, 1>}, {transform_indices = @transform_2, window_bounds = array<i64: 32, 1>}, {transform_indices = @transform_3, window_bounds = array<i64: 32, 1>}, {pipeline_mode = #tpu.pipeline_mode<synchronous>, transform_indices = @transform_4, window_bounds = array<i64: 1, 5120>}, {pipeline_mode = #tpu.pipeline_mode<synchronous>, transform_indices = @transform_5, window_bounds = array<i64: 1, 5120>}, {pipeline_mode = #tpu.pipeline_mode<synchronous>, transform_indices = @transform_6, window_bounds = array<i64: 1, 5120>}, {pipeline_mode = #tpu.pipeline_mode<synchronous>, transform_indices = @transform_7, window_bounds = array<i64: 1, 5120>}, {transform_indices = @transform_8, window_bounds = array<i64: 32, 3>}]} {
    %get3A = arith.constant 0 : index
    %get3A_0 = arith.constant 0 : index
    %get3A_1 = vector.load %arg1[%get3A, %get3A_0] : memref<32x1xf32, #tpu.memory_space<vmem>>, vector<32x1xf32>
    %get3A_2 = arith.constant 0 : index
    %get3A_3 = arith.constant 0 : index
    %get3A_4 = vector.load %arg5[%get3A_2, %get3A_3] : memref<1x5120xf32, #tpu.memory_space<vmem>>, vector<1x5120xf32>
    %max3A = vector.broadcast %get3A_1 : vector<32x1xf32> to vector<32x5120xf32>
    %max3A_5 = vector.broadcast %get3A_4 : vector<1x5120xf32> to vector<32x5120xf32>
    %max3A_6 = arith.maximumf %max3A, %max3A_5 : vector<32x5120xf32>
    %get3A_7 = arith.constant 0 : index
    %get3A_8 = arith.constant 0 : index
    %get3A_9 = vector.load %arg2[%get3A_7, %get3A_8] : memref<32x1xf32, #tpu.memory_space<vmem>>, vector<32x1xf32>
    %get3A_10 = arith.constant 0 : index
    %get3A_11 = arith.constant 0 : index
    %get3A_12 = vector.load %arg6[%get3A_10, %get3A_11] : memref<1x5120xf32, #tpu.memory_space<vmem>>, vector<1x5120xf32>
    %max3A_13 = vector.broadcast %get3A_9 : vector<32x1xf32> to vector<32x5120xf32>
    %max3A_14 = vector.broadcast %get3A_12 : vector<1x5120xf32> to vector<32x5120xf32>
    %max3A_15 = arith.maximumf %max3A_13, %max3A_14 : vector<32x5120xf32>
    %get3A_16 = arith.constant 0 : index
    %get3A_17 = arith.constant 0 : index
    %get3A_18 = vector.load %arg3[%get3A_16, %get3A_17] : memref<32x1xf32, #tpu.memory_space<vmem>>, vector<32x1xf32>
    %get3A_19 = arith.constant 0 : index
    %get3A_20 = arith.constant 0 : index
    %get3A_21 = vector.load %arg7[%get3A_19, %get3A_20] : memref<1x5120xf32, #tpu.memory_space<vmem>>, vector<1x5120xf32>
    %min3A = vector.broadcast %get3A_18 : vector<32x1xf32> to vector<32x5120xf32>
    %min3A_22 = vector.broadcast %get3A_21 : vector<1x5120xf32> to vector<32x5120xf32>
    %min3A_23 = arith.minimumf %min3A, %min3A_22 : vector<32x5120xf32>
    %get3A_24 = arith.constant 0 : index
    %get3A_25 = arith.constant 0 : index
    %get3A_26 = vector.load %arg4[%get3A_24, %get3A_25] : memref<32x1xf32, #tpu.memory_space<vmem>>, vector<32x1xf32>
    %get3A_27 = arith.constant 0 : index
    %get3A_28 = arith.constant 0 : index
    %get3A_29 = vector.load %arg8[%get3A_27, %get3A_28] : memref<1x5120xf32, #tpu.memory_space<vmem>>, vector<1x5120xf32>
    %min3A_30 = vector.broadcast %get3A_26 : vector<32x1xf32> to vector<32x5120xf32>
    %min3A_31 = vector.broadcast %get3A_29 : vector<1x5120xf32> to vector<32x5120xf32>
    %min3A_32 = arith.minimumf %min3A_30, %min3A_31 : vector<32x5120xf32>
    %sub3A = arith.subf %min3A_23, %max3A_6 : vector<32x5120xf32>
    %max3A_33 = arith.constant 0.000000e+00 : f32
    %max3A_34 = vector.broadcast %max3A_33 : f32 to vector<32x5120xf32>
    %max3A_35 = arith.maximumf %sub3A, %max3A_34 : vector<32x5120xf32>
    %sub3A_36 = arith.subf %min3A_32, %max3A_15 : vector<32x5120xf32>
    %max3A_37 = arith.constant 0.000000e+00 : f32
    %max3A_38 = vector.broadcast %max3A_37 : f32 to vector<32x5120xf32>
    %max3A_39 = arith.maximumf %sub3A_36, %max3A_38 : vector<32x5120xf32>
    %mul3A = arith.mulf %max3A_35, %max3A_39 : vector<32x5120xf32>
    %get3A_40 = arith.constant 0 : index
    %get3A_41 = arith.constant 0 : index
    %get3A_42 = vector.load %arg3[%get3A_40, %get3A_41] : memref<32x1xf32, #tpu.memory_space<vmem>>, vector<32x1xf32>
    %get3A_43 = arith.constant 0 : index
    %get3A_44 = arith.constant 0 : index
    %get3A_45 = vector.load %arg1[%get3A_43, %get3A_44] : memref<32x1xf32, #tpu.memory_space<vmem>>, vector<32x1xf32>
    %sub3A_46 = arith.subf %get3A_42, %get3A_45 : vector<32x1xf32>
    %get3A_47 = arith.constant 0 : index
    %get3A_48 = arith.constant 0 : index
    %get3A_49 = vector.load %arg4[%get3A_47, %get3A_48] : memref<32x1xf32, #tpu.memory_space<vmem>>, vector<32x1xf32>
    %get3A_50 = arith.constant 0 : index
    %get3A_51 = arith.constant 0 : index
    %get3A_52 = vector.load %arg2[%get3A_50, %get3A_51] : memref<32x1xf32, #tpu.memory_space<vmem>>, vector<32x1xf32>
    %sub3A_53 = arith.subf %get3A_49, %get3A_52 : vector<32x1xf32>
    %mul3A_54 = arith.mulf %sub3A_46, %sub3A_53 : vector<32x1xf32>
    %get3A_55 = arith.constant 0 : index
    %get3A_56 = arith.constant 0 : index
    %get3A_57 = vector.load %arg7[%get3A_55, %get3A_56] : memref<1x5120xf32, #tpu.memory_space<vmem>>, vector<1x5120xf32>
    %get3A_58 = arith.constant 0 : index
    %get3A_59 = arith.constant 0 : index
    %get3A_60 = vector.load %arg5[%get3A_58, %get3A_59] : memref<1x5120xf32, #tpu.memory_space<vmem>>, vector<1x5120xf32>
    %sub3A_61 = arith.subf %get3A_57, %get3A_60 : vector<1x5120xf32>
    %get3A_62 = arith.constant 0 : index
    %get3A_63 = arith.constant 0 : index
    %get3A_64 = vector.load %arg8[%get3A_62, %get3A_63] : memref<1x5120xf32, #tpu.memory_space<vmem>>, vector<1x5120xf32>
    %get3A_65 = arith.constant 0 : index
    %get3A_66 = arith.constant 0 : index
    %get3A_67 = vector.load %arg6[%get3A_65, %get3A_66] : memref<1x5120xf32, #tpu.memory_space<vmem>>, vector<1x5120xf32>
    %sub3A_68 = arith.subf %get3A_64, %get3A_67 : vector<1x5120xf32>
    %mul3A_69 = arith.mulf %sub3A_61, %sub3A_68 : vector<1x5120xf32>
    %add3A = vector.broadcast %mul3A_54 : vector<32x1xf32> to vector<32x5120xf32>
    %add3A_70 = vector.broadcast %mul3A_69 : vector<1x5120xf32> to vector<32x5120xf32>
    %add3A_71 = arith.addf %add3A, %add3A_70 : vector<32x5120xf32>
    %sub3A_72 = arith.subf %add3A_71, %mul3A : vector<32x5120xf32>
    %add3A_73 = arith.constant 9.99999971E-10 : f32
    %add3A_74 = vector.broadcast %add3A_73 : f32 to vector<32x5120xf32>
    %add3A_75 = arith.addf %sub3A_72, %add3A_74 : vector<32x5120xf32>
    %div3A = arith.divf %mul3A, %add3A_75 : vector<32x5120xf32>
    %iota3A = tpu.iota {dimensions = array<i32: 1>} : vector<32x5120xi32>
    %reduce_max3A = arith.constant dense<0xFF800000> : vector<32xf32>
    %reduce_max3A_76 = vector.multi_reduction <maximumf>, %div3A, %reduce_max3A [1] : vector<32x5120xf32> to vector<32xf32>
    %broadcast_in_dim3A = vector.shape_cast %reduce_max3A_76 : vector<32xf32> to vector<32x1xf32>
    %eq3A = vector.broadcast %broadcast_in_dim3A : vector<32x1xf32> to vector<32x5120xf32>
    %eq3A_77 = arith.cmpf oeq, %div3A, %eq3A : vector<32x5120xf32>
    %jit3A = arith.constant 5120 : i32
    %broadcast_in_dim3A_78 = vector.broadcast %jit3A : i32 to vector<32x5120xi32>
    %select_n3A = arith.select %eq3A_77, %iota3A, %broadcast_in_dim3A_78 : vector<32x5120xi1>, vector<32x5120xi32>
    %reduce_min3A = arith.constant dense<2147483647> : vector<32xi32>
    %reduce_min3A_79 = vector.multi_reduction <minsi>, %select_n3A, %reduce_min3A [1] : vector<32x5120xi32> to vector<32xi32>
    %broadcast_in_dim3A_80 = vector.shape_cast %reduce_min3A_79 : vector<32xi32> to vector<32x1xi32>
    %ge3A = arith.constant 5.000000e-01 : f32
    %ge3A_81 = vector.broadcast %ge3A : f32 to vector<32x1xf32>
    %ge3A_82 = arith.cmpf oge, %broadcast_in_dim3A, %ge3A_81 : vector<32x1xf32>
    %jit3A_83 = arith.constant 5120 : i32
    %broadcast_in_dim3A_84 = vector.broadcast %jit3A_83 : i32 to vector<32x1xi32>
    %select_n3A_85 = arith.select %ge3A_82, %broadcast_in_dim3A_80, %broadcast_in_dim3A_84 : vector<32x1xi1>, vector<32x1xi32>
    %eq3A_86 = vector.broadcast %broadcast_in_dim3A_80 : vector<32x1xi32> to vector<32x5120xi32>
    %eq3A_87 = arith.cmpi eq, %iota3A, %eq3A_86 : vector<32x5120xi32>
    %jit3A_88 = arith.constant -1.000000e+00 : f32
    %broadcast_in_dim3A_89 = vector.broadcast %jit3A_88 : f32 to vector<32x5120xf32>
    %select_n3A_90 = arith.select %eq3A_87, %broadcast_in_dim3A_89, %div3A : vector<32x5120xi1>, vector<32x5120xf32>
    %reduce_max3A_91 = arith.constant dense<0xFF800000> : vector<32xf32>
    %reduce_max3A_92 = vector.multi_reduction <maximumf>, %select_n3A_90, %reduce_max3A_91 [1] : vector<32x5120xf32> to vector<32xf32>
    %broadcast_in_dim3A_93 = vector.shape_cast %reduce_max3A_92 : vector<32xf32> to vector<32x1xf32>
    %eq3A_94 = vector.broadcast %broadcast_in_dim3A_93 : vector<32x1xf32> to vector<32x5120xf32>
    %eq3A_95 = arith.cmpf oeq, %select_n3A_90, %eq3A_94 : vector<32x5120xf32>
    %jit3A_96 = arith.constant 5120 : i32
    %broadcast_in_dim3A_97 = vector.broadcast %jit3A_96 : i32 to vector<32x5120xi32>
    %select_n3A_98 = arith.select %eq3A_95, %iota3A, %broadcast_in_dim3A_97 : vector<32x5120xi1>, vector<32x5120xi32>
    %reduce_min3A_99 = arith.constant dense<2147483647> : vector<32xi32>
    %reduce_min3A_100 = vector.multi_reduction <minsi>, %select_n3A_98, %reduce_min3A_99 [1] : vector<32x5120xi32> to vector<32xi32>
    %broadcast_in_dim3A_101 = vector.shape_cast %reduce_min3A_100 : vector<32xi32> to vector<32x1xi32>
    %ge3A_102 = arith.constant 5.000000e-01 : f32
    %ge3A_103 = vector.broadcast %ge3A_102 : f32 to vector<32x1xf32>
    %ge3A_104 = arith.cmpf oge, %broadcast_in_dim3A_93, %ge3A_103 : vector<32x1xf32>
    %jit3A_105 = arith.constant 5120 : i32
    %broadcast_in_dim3A_106 = vector.broadcast %jit3A_105 : i32 to vector<32x1xi32>
    %select_n3A_107 = arith.select %ge3A_104, %broadcast_in_dim3A_101, %broadcast_in_dim3A_106 : vector<32x1xi1>, vector<32x1xi32>
    %eq3A_108 = vector.broadcast %broadcast_in_dim3A_101 : vector<32x1xi32> to vector<32x5120xi32>
    %eq3A_109 = arith.cmpi eq, %iota3A, %eq3A_108 : vector<32x5120xi32>
    %jit3A_110 = arith.constant -1.000000e+00 : f32
    %broadcast_in_dim3A_111 = vector.broadcast %jit3A_110 : f32 to vector<32x5120xf32>
    %select_n3A_112 = arith.select %eq3A_109, %broadcast_in_dim3A_111, %select_n3A_90 : vector<32x5120xi1>, vector<32x5120xf32>
    %reduce_max3A_113 = arith.constant dense<0xFF800000> : vector<32xf32>
    %reduce_max3A_114 = vector.multi_reduction <maximumf>, %select_n3A_112, %reduce_max3A_113 [1] : vector<32x5120xf32> to vector<32xf32>
    %broadcast_in_dim3A_115 = vector.shape_cast %reduce_max3A_114 : vector<32xf32> to vector<32x1xf32>
    %eq3A_116 = vector.broadcast %broadcast_in_dim3A_115 : vector<32x1xf32> to vector<32x5120xf32>
    %eq3A_117 = arith.cmpf oeq, %select_n3A_112, %eq3A_116 : vector<32x5120xf32>
    %jit3A_118 = arith.constant 5120 : i32
    %broadcast_in_dim3A_119 = vector.broadcast %jit3A_118 : i32 to vector<32x5120xi32>
    %select_n3A_120 = arith.select %eq3A_117, %iota3A, %broadcast_in_dim3A_119 : vector<32x5120xi1>, vector<32x5120xi32>
    %reduce_min3A_121 = arith.constant dense<2147483647> : vector<32xi32>
    %reduce_min3A_122 = vector.multi_reduction <minsi>, %select_n3A_120, %reduce_min3A_121 [1] : vector<32x5120xi32> to vector<32xi32>
    %broadcast_in_dim3A_123 = vector.shape_cast %reduce_min3A_122 : vector<32xi32> to vector<32x1xi32>
    %ge3A_124 = arith.constant 5.000000e-01 : f32
    %ge3A_125 = vector.broadcast %ge3A_124 : f32 to vector<32x1xf32>
    %ge3A_126 = arith.cmpf oge, %broadcast_in_dim3A_115, %ge3A_125 : vector<32x1xf32>
    %jit3A_127 = arith.constant 5120 : i32
    %broadcast_in_dim3A_128 = vector.broadcast %jit3A_127 : i32 to vector<32x1xi32>
    %select_n3A_129 = arith.select %ge3A_126, %broadcast_in_dim3A_123, %broadcast_in_dim3A_128 : vector<32x1xi1>, vector<32x1xi32>
    %eq3A_130 = vector.broadcast %broadcast_in_dim3A_123 : vector<32x1xi32> to vector<32x5120xi32>
    %eq3A_131 = arith.cmpi eq, %iota3A, %eq3A_130 : vector<32x5120xi32>
    %jit3A_132 = arith.constant -1.000000e+00 : f32
    %broadcast_in_dim3A_133 = vector.broadcast %jit3A_132 : f32 to vector<32x5120xf32>
    %select_n3A_134 = arith.select %eq3A_131, %broadcast_in_dim3A_133, %select_n3A_112 : vector<32x5120xi1>, vector<32x5120xf32>
    %reduce_max3A_135 = arith.constant dense<0xFF800000> : vector<32xf32>
    %reduce_max3A_136 = vector.multi_reduction <maximumf>, %select_n3A_134, %reduce_max3A_135 [1] : vector<32x5120xf32> to vector<32xf32>
    %broadcast_in_dim3A_137 = vector.shape_cast %reduce_max3A_136 : vector<32xf32> to vector<32x1xf32>
    %eq3A_138 = vector.broadcast %broadcast_in_dim3A_137 : vector<32x1xf32> to vector<32x5120xf32>
    %eq3A_139 = arith.cmpf oeq, %select_n3A_134, %eq3A_138 : vector<32x5120xf32>
    %jit3A_140 = arith.constant 5120 : i32
    %broadcast_in_dim3A_141 = vector.broadcast %jit3A_140 : i32 to vector<32x5120xi32>
    %select_n3A_142 = arith.select %eq3A_139, %iota3A, %broadcast_in_dim3A_141 : vector<32x5120xi1>, vector<32x5120xi32>
    %reduce_min3A_143 = arith.constant dense<2147483647> : vector<32xi32>
    %reduce_min3A_144 = vector.multi_reduction <minsi>, %select_n3A_142, %reduce_min3A_143 [1] : vector<32x5120xi32> to vector<32xi32>
    %broadcast_in_dim3A_145 = vector.shape_cast %reduce_min3A_144 : vector<32xi32> to vector<32x1xi32>
    %ge3A_146 = arith.constant 5.000000e-01 : f32
    %ge3A_147 = vector.broadcast %ge3A_146 : f32 to vector<32x1xf32>
    %ge3A_148 = arith.cmpf oge, %broadcast_in_dim3A_137, %ge3A_147 : vector<32x1xf32>
    %jit3A_149 = arith.constant 5120 : i32
    %broadcast_in_dim3A_150 = vector.broadcast %jit3A_149 : i32 to vector<32x1xi32>
    %select_n3A_151 = arith.select %ge3A_148, %broadcast_in_dim3A_145, %broadcast_in_dim3A_150 : vector<32x1xi1>, vector<32x1xi32>
    %eq3A_152 = vector.broadcast %broadcast_in_dim3A_145 : vector<32x1xi32> to vector<32x5120xi32>
    %eq3A_153 = arith.cmpi eq, %iota3A, %eq3A_152 : vector<32x5120xi32>
    %jit3A_154 = arith.constant -1.000000e+00 : f32
    %broadcast_in_dim3A_155 = vector.broadcast %jit3A_154 : f32 to vector<32x5120xf32>
    %select_n3A_156 = arith.select %eq3A_153, %broadcast_in_dim3A_155, %select_n3A_134 : vector<32x5120xi1>, vector<32x5120xf32>
    %reduce_max3A_157 = arith.constant dense<0xFF800000> : vector<32xf32>
    %reduce_max3A_158 = vector.multi_reduction <maximumf>, %select_n3A_156, %reduce_max3A_157 [1] : vector<32x5120xf32> to vector<32xf32>
    %broadcast_in_dim3A_159 = vector.shape_cast %reduce_max3A_158 : vector<32xf32> to vector<32x1xf32>
    %eq3A_160 = vector.broadcast %broadcast_in_dim3A_159 : vector<32x1xf32> to vector<32x5120xf32>
    %eq3A_161 = arith.cmpf oeq, %select_n3A_156, %eq3A_160 : vector<32x5120xf32>
    %jit3A_162 = arith.constant 5120 : i32
    %broadcast_in_dim3A_163 = vector.broadcast %jit3A_162 : i32 to vector<32x5120xi32>
    %select_n3A_164 = arith.select %eq3A_161, %iota3A, %broadcast_in_dim3A_163 : vector<32x5120xi1>, vector<32x5120xi32>
    %reduce_min3A_165 = arith.constant dense<2147483647> : vector<32xi32>
    %reduce_min3A_166 = vector.multi_reduction <minsi>, %select_n3A_164, %reduce_min3A_165 [1] : vector<32x5120xi32> to vector<32xi32>
    %broadcast_in_dim3A_167 = vector.shape_cast %reduce_min3A_166 : vector<32xi32> to vector<32x1xi32>
    %ge3A_168 = arith.constant 5.000000e-01 : f32
    %ge3A_169 = vector.broadcast %ge3A_168 : f32 to vector<32x1xf32>
    %ge3A_170 = arith.cmpf oge, %broadcast_in_dim3A_159, %ge3A_169 : vector<32x1xf32>
    %jit3A_171 = arith.constant 5120 : i32
    %broadcast_in_dim3A_172 = vector.broadcast %jit3A_171 : i32 to vector<32x1xi32>
    %select_n3A_173 = arith.select %ge3A_170, %broadcast_in_dim3A_167, %broadcast_in_dim3A_172 : vector<32x1xi1>, vector<32x1xi32>
    %eq3A_174 = vector.broadcast %broadcast_in_dim3A_167 : vector<32x1xi32> to vector<32x5120xi32>
    %eq3A_175 = arith.cmpi eq, %iota3A, %eq3A_174 : vector<32x5120xi32>
    %jit3A_176 = arith.constant -1.000000e+00 : f32
    %broadcast_in_dim3A_177 = vector.broadcast %jit3A_176 : f32 to vector<32x5120xf32>
    %select_n3A_178 = arith.select %eq3A_175, %broadcast_in_dim3A_177, %select_n3A_156 : vector<32x5120xi1>, vector<32x5120xf32>
    %reduce_max3A_179 = arith.constant dense<0xFF800000> : vector<32xf32>
    %reduce_max3A_180 = vector.multi_reduction <maximumf>, %select_n3A_178, %reduce_max3A_179 [1] : vector<32x5120xf32> to vector<32xf32>
    %broadcast_in_dim3A_181 = vector.shape_cast %reduce_max3A_180 : vector<32xf32> to vector<32x1xf32>
    %eq3A_182 = vector.broadcast %broadcast_in_dim3A_181 : vector<32x1xf32> to vector<32x5120xf32>
    %eq3A_183 = arith.cmpf oeq, %select_n3A_178, %eq3A_182 : vector<32x5120xf32>
    %jit3A_184 = arith.constant 5120 : i32
    %broadcast_in_dim3A_185 = vector.broadcast %jit3A_184 : i32 to vector<32x5120xi32>
    %select_n3A_186 = arith.select %eq3A_183, %iota3A, %broadcast_in_dim3A_185 : vector<32x5120xi1>, vector<32x5120xi32>
    %reduce_min3A_187 = arith.constant dense<2147483647> : vector<32xi32>
    %reduce_min3A_188 = vector.multi_reduction <minsi>, %select_n3A_186, %reduce_min3A_187 [1] : vector<32x5120xi32> to vector<32xi32>
    %broadcast_in_dim3A_189 = vector.shape_cast %reduce_min3A_188 : vector<32xi32> to vector<32x1xi32>
    %ge3A_190 = arith.constant 5.000000e-01 : f32
    %ge3A_191 = vector.broadcast %ge3A_190 : f32 to vector<32x1xf32>
    %ge3A_192 = arith.cmpf oge, %broadcast_in_dim3A_181, %ge3A_191 : vector<32x1xf32>
    %jit3A_193 = arith.constant 5120 : i32
    %broadcast_in_dim3A_194 = vector.broadcast %jit3A_193 : i32 to vector<32x1xi32>
    %select_n3A_195 = arith.select %ge3A_192, %broadcast_in_dim3A_189, %broadcast_in_dim3A_194 : vector<32x1xi1>, vector<32x1xi32>
    %mul3A_196 = arith.constant 65536 : i32
    %mul3A_197 = vector.broadcast %mul3A_196 : i32 to vector<32x1xi32>
    %mul3A_198 = arith.muli %select_n3A_107, %mul3A_197 : vector<32x1xi32>
    %add3A_199 = arith.addi %select_n3A_85, %mul3A_198 : vector<32x1xi32>
    %swap3A = arith.constant 0 : index
    %swap3A_200 = arith.constant 0 : index
    %swap3A_201 = vector.load %arg9[%swap3A, %swap3A_200] : memref<32x3xi32, #tpu.memory_space<vmem>>, vector<32x1xi32>
    tpu.vector_store %arg9[%swap3A, %swap3A_200], %add3A_199 {strides = array<i32>} : memref<32x3xi32, #tpu.memory_space<vmem>>, vector<32x1xi32>,
    %mul3A_202 = arith.constant 65536 : i32
    %mul3A_203 = vector.broadcast %mul3A_202 : i32 to vector<32x1xi32>
    %mul3A_204 = arith.muli %select_n3A_151, %mul3A_203 : vector<32x1xi32>
    %add3A_205 = arith.addi %select_n3A_129, %mul3A_204 : vector<32x1xi32>
    %swap3A_206 = arith.constant 0 : index
    %swap3A_207 = arith.constant 1 : index
    %swap3A_208 = vector.load %arg9[%swap3A_206, %swap3A_207] : memref<32x3xi32, #tpu.memory_space<vmem>>, vector<32x1xi32>
    tpu.vector_store %arg9[%swap3A_206, %swap3A_207], %add3A_205 {strides = array<i32>} : memref<32x3xi32, #tpu.memory_space<vmem>>, vector<32x1xi32>,
    %mul3A_209 = arith.constant 65536 : i32
    %mul3A_210 = vector.broadcast %mul3A_209 : i32 to vector<32x1xi32>
    %mul3A_211 = arith.muli %select_n3A_195, %mul3A_210 : vector<32x1xi32>
    %add3A_212 = arith.addi %select_n3A_173, %mul3A_211 : vector<32x1xi32>
    %swap3A_213 = arith.constant 0 : index
    %swap3A_214 = arith.constant 2 : index
    %swap3A_215 = vector.load %arg9[%swap3A_213, %swap3A_214] : memref<32x3xi32, #tpu.memory_space<vmem>>, vector<32x1xi32>
    tpu.vector_store %arg9[%swap3A_213, %swap3A_214], %add3A_212 {strides = array<i32>} : memref<32x3xi32, #tpu.memory_space<vmem>>, vector<32x1xi32>,
    return
  }
  func.func @transform_0(%arg0: i32) -> (i32, i32) {
    %c0_i32 = arith.constant 0 : i32
    %c0_i32_0 = arith.constant 0 : i32
    return %arg0, %c0_i32 : i32, i32
  }
  func.func @transform_1(%arg0: i32) -> (i32, i32) {
    %c0_i32 = arith.constant 0 : i32
    %c0_i32_0 = arith.constant 0 : i32
    return %arg0, %c0_i32 : i32, i32
  }
  func.func @transform_2(%arg0: i32) -> (i32, i32) {
    %c0_i32 = arith.constant 0 : i32
    %c0_i32_0 = arith.constant 0 : i32
    return %arg0, %c0_i32 : i32, i32
  }
  func.func @transform_3(%arg0: i32) -> (i32, i32) {
    %c0_i32 = arith.constant 0 : i32
    %c0_i32_0 = arith.constant 0 : i32
    return %arg0, %c0_i32 : i32, i32
  }
  func.func @transform_4(%arg0: i32) -> (i32, i32) {
    %c0_i32 = arith.constant 0 : i32
    %c0_i32_0 = arith.constant 0 : i32
    %c0_i32_1 = arith.constant 0 : i32
    return %c0_i32, %c0_i32_0 : i32, i32
  }
  func.func @transform_5(%arg0: i32) -> (i32, i32) {
    %c0_i32 = arith.constant 0 : i32
    %c0_i32_0 = arith.constant 0 : i32
    %c0_i32_1 = arith.constant 0 : i32
    return %c0_i32, %c0_i32_0 : i32, i32
  }
  func.func @transform_6(%arg0: i32) -> (i32, i32) {
    %c0_i32 = arith.constant 0 : i32
    %c0_i32_0 = arith.constant 0 : i32
    %c0_i32_1 = arith.constant 0 : i32
    return %c0_i32, %c0_i32_0 : i32, i32
  }
  func.func @transform_7(%arg0: i32) -> (i32, i32) {
    %c0_i32 = arith.constant 0 : i32
    %c0_i32_0 = arith.constant 0 : i32
    %c0_i32_1 = arith.constant 0 : i32
    return %c0_i32, %c0_i32_0 : i32, i32
  }
  func.func @transform_8(%arg0: i32) -> (i32, i32) {
    %c0_i32 = arith.constant 0 : i32
    %c0_i32_0 = arith.constant 0 : i32
    return %arg0, %c0_i32 : i32, i32
  }
}

module attributes {stable_mosaic.version = 14 : i64} {
  func.func @_rank_body(%arg0: i32, %arg1: memref<32x1xf32, #tpu.memory_space<vmem>>, %arg2: memref<1x20096xf32, #tpu.memory_space<vmem>>, %arg3: memref<32x1xi32, #tpu.memory_space<vmem>>) attributes {dimension_semantics = [#tpu.dimension_semantics<arbitrary>], iteration_bounds = array<i64: 625>, scalar_prefetch = 0 : i64, scratch_operands = 0 : i64, tpu.core_type = #tpu.core_type<tc>, window_params = [{transform_indices = @transform_0, window_bounds = array<i64: 32, 1>}, {pipeline_mode = #tpu.pipeline_mode<synchronous>, transform_indices = @transform_1, window_bounds = array<i64: 1, 20096>}, {transform_indices = @transform_2, window_bounds = array<i64: 32, 1>}]} {
    %mul3A = arith.constant 32 : i32
    %mul3A_0 = arith.muli %arg0, %mul3A : i32
    %iota3A = tpu.iota {dimensions = array<i32: 0>} : vector<32x1xi32>
    %add3A = vector.broadcast %mul3A_0 : i32 to vector<32x1xi32>
    %add3A_1 = arith.addi %add3A, %iota3A : vector<32x1xi32>
    %iota3A_2 = tpu.iota {dimensions = array<i32: 1>} : vector<1x20096xi32>
    %get3A = arith.constant 0 : index
    %get3A_3 = arith.constant 0 : index
    %get3A_4 = vector.load %arg1[%get3A, %get3A_3] : memref<32x1xf32, #tpu.memory_space<vmem>>, vector<32x1xf32>
    %get3A_5 = arith.constant 0 : index
    %get3A_6 = arith.constant 0 : index
    %get3A_7 = vector.load %arg2[%get3A_5, %get3A_6] : memref<1x20096xf32, #tpu.memory_space<vmem>>, vector<1x20096xf32>
    %gt3A = vector.broadcast %get3A_7 : vector<1x20096xf32> to vector<32x20096xf32>
    %gt3A_8 = vector.broadcast %get3A_4 : vector<32x1xf32> to vector<32x20096xf32>
    %gt3A_9 = arith.cmpf ogt, %gt3A, %gt3A_8 : vector<32x20096xf32>
    %eq3A = vector.broadcast %get3A_7 : vector<1x20096xf32> to vector<32x20096xf32>
    %eq3A_10 = vector.broadcast %get3A_4 : vector<32x1xf32> to vector<32x20096xf32>
    %eq3A_11 = arith.cmpf oeq, %eq3A, %eq3A_10 : vector<32x20096xf32>
    %lt3A = vector.broadcast %iota3A_2 : vector<1x20096xi32> to vector<32x20096xi32>
    %lt3A_12 = vector.broadcast %add3A_1 : vector<32x1xi32> to vector<32x20096xi32>
    %lt3A_13 = arith.cmpi slt, %lt3A, %lt3A_12 : vector<32x20096xi32>
    %and3A = arith.andi %eq3A_11, %lt3A_13 : vector<32x20096xi1>
    %or3A = arith.ori %gt3A_9, %and3A : vector<32x20096xi1>
    %jit3A = arith.constant 1 : i32
    %jit3A_14 = arith.constant 0 : i32
    %broadcast_in_dim3A = vector.broadcast %jit3A : i32 to vector<32x20096xi32>
    %broadcast_in_dim3A_15 = vector.broadcast %jit3A_14 : i32 to vector<32x20096xi32>
    %select_n3A = arith.select %or3A, %broadcast_in_dim3A, %broadcast_in_dim3A_15 : vector<32x20096xi1>, vector<32x20096xi32>
    %reduce_sum3A = arith.constant dense<0> : vector<32xi32>
    %reduce_sum3A_16 = vector.multi_reduction <add>, %select_n3A, %reduce_sum3A [1] : vector<32x20096xi32> to vector<32xi32>
    %broadcast_in_dim3A_17 = vector.shape_cast %reduce_sum3A_16 : vector<32xi32> to vector<32x1xi32>
    %swap3A = arith.constant 0 : index
    %swap3A_18 = arith.constant 0 : index
    %swap3A_19 = vector.load %arg3[%swap3A, %swap3A_18] : memref<32x1xi32, #tpu.memory_space<vmem>>, vector<32x1xi32>
    tpu.vector_store %arg3[%swap3A, %swap3A_18], %broadcast_in_dim3A_17 {strides = array<i32>} : memref<32x1xi32, #tpu.memory_space<vmem>>, vector<32x1xi32>,
    return
  }
  func.func @transform_0(%arg0: i32) -> (i32, i32) {
    %c0_i32 = arith.constant 0 : i32
    %c0_i32_0 = arith.constant 0 : i32
    return %arg0, %c0_i32 : i32, i32
  }
  func.func @transform_1(%arg0: i32) -> (i32, i32) {
    %c0_i32 = arith.constant 0 : i32
    %c0_i32_0 = arith.constant 0 : i32
    %c0_i32_1 = arith.constant 0 : i32
    return %c0_i32, %c0_i32_0 : i32, i32
  }
  func.func @transform_2(%arg0: i32) -> (i32, i32) {
    %c0_i32 = arith.constant 0 : i32
    %c0_i32_0 = arith.constant 0 : i32
    return %arg0, %c0_i32 : i32, i32
  }
}

</mosaic_0001>

<sc_bundles>
// kernel: kernel.5.cloned.1.call-start
scs
__scs_entry_jumppad:
0x0: {  	(pc) =	sbr.rel $0x88, $3  }
0x1: {  	(tag) =	ssettag $0x0;
	lr =	simm.s32 $0x1  }
0x2: {  	[smem:$0x3F9E] =	sst lr;
	_ =	strace $0xD0000000  }
0x3: {  	_ = 	snop  }
0x4: {  	_ = 	snop  }
0x5: {  	_ = 	snop  }
0x6: {  	_ = 	snop  }
0x7: {  	_ = 	snop  }
__scs_overlays_trampoline_lowered:
0x8: {  	[smem:$0x3FAD] =	sst s0  }
0x9: {  	[smem:$0x3FAE] =	sst s1  }
0xa: {  	[smem:$0x3FAF] =	sst s2  }
0xb: {  	[smem:$0x3FB0] =	sst s3  }
0xc: {  	[smem:$0x3FB1] =	sst s4  }
0xd: {  	[smem:$0x3FB2] =	sst s5  }
0xe: {  	[smem:$0x3FB3] =	sst s6  }
0xf: {  	[smem:$0x3FB4] =	sst s7  }
0x10: {  	[smem:$0x3FB5] =	sst s8  }
0x11: {  	[smem:$0x3FB6] =	sst s9;
	s0 =	simm.s32 @!p0 $0x0  }
0x12: {  	s1 =	sld [smem:$0x3F9C];
	s0 =	simm.s32 @p0 $0x1  }
0x13: {  	[smem:$0x3FB7] =	sst s0;
	s0 =	simm.s32 @!p1 $0x0  }
0x14: {  	s2 =	sld [smem:$0x3F9B];
	s0 =	simm.s32 @p1 $0x1  }
0x15: {  	[smem:$0x3FB8] =	sst s0;
	s0 =	simm.s32 @!p2 $0x0  }
0x16: {  	s3 =	sld [smem:$0x3FDB];
	s0 =	simm.s32 @p2 $0x1  }
0x17: {  	s4 =	simm.s32 $0x1BF5;
	[smem:$0x3FBA] =	sst s0  }
0x18: {  	s0 =	sld [smem:$0x3F9D];
	_ =	swait.ge [sflag:s4], $0x0  }
0x19: {  	s7 =	sld [smem:$0x3F9E]  }
0x1a: {  	s8 =	sadd.s32 $0xFFFFE003, lr  }
0x1b: {  	s9 =	sadd.s32 $0xFFFFFEF7, lr;
	s5 =	simm.s32 $0xFFFFFFFF;
	p2 =	slt.u32 s8, $0xFFFFF086  }
0x1c: {  	p1 =	slt.u32 s9, $0xF7A;
	s5 =	simm.s32 @!p2 $0x0  }
0x1d: {  	s5 =	simm.s32 @p1 $0x1;
	p0 =	seq.s32 s7, s2  }
0x1e: {  	s7 =	smul.u32 @!p0 $0xF7A, s2;
	p2 =	seq.s32 @!p0 s5, $0x0  }
0x1f: {  	s9 =	smul.u32 $0xF7A, s1;
	s8 =	simm.s32 @!p0 $0x1BF5;
	p2 =	por !p2, p0  }
0x20: {  	[sflag:s8] =	ssyncset.s32 @!p0 $0xFFFFF086;
	s6 =	sadd.s32 @!p0 s3, s7;
	s7 =	simm.s32 @!p0 $0x108  }
0x21: {  	s3 =	sadd.s32 s3, s9;
	s6 =	sadd.s32 @!p0 $0x88, s6;
	s7 =	simm.s32 @p2 $0x1082  }
0x22: {  	[simem:s7], [sflag:s8] =	dma.local @!p0 [hbm:s6], $0xF7A  }
0x23: {  	s9 =	sor.u32 $0xD0000000, s2;
	s6 =	simm.s32 $0x108;
	_ =	swait.ge @!p0 [sflag:s8], $0x0  }
0x24: {  	s3 =	sadd.s32 $0x88, s3;
	s6 =	simm.s32 @!p1 $0x1082;
	[sflag:s4] =	ssyncset.s32 $0xFFFFF086  }
0x25: {  	[simem:s6], [sflag:s4] =	dma.local [hbm:s3], $0xF7A  }
0x26: {  	[smem:$0x3F9E] =	sst s1;
	(tag) =	ssettag s2;
	_ =	strace s9  }
0x27: {  	s1 =	sld [smem:$0x3FAE]  }
0x28: {  	s2 =	sld [smem:$0x3FAF]  }
0x29: {  	s4 =	sld [smem:$0x3FB1]  }
0x2a: {  	p0 =	seq.s32 s5, $0x0;
	s5 =	sld [smem:$0x3FB2]  }
0x2b: {  	s6 =	sld [smem:$0x3FB3]  }
0x2c: {  	s7 =	sld [smem:$0x3FB4]  }
0x2d: {  	s3 =	simm.s32 $0x108;
	s8 =	sld [smem:$0x3FB5]  }
0x2e: {  	s3 =	simm.s32 @!p0 $0x1082;
	s9 =	sld [smem:$0x3FB6]  }
0x2f: {  	lr =	sadd.s32 s0, s3;
	s0 =	sld [smem:$0x3FAD]  }
0x30: {  	s3 =	sld [smem:$0x3FB0]  }
0x31: {  	[smem:$0x3FB9] =	sst s10  }
0x32: {  	s10 =	sld [smem:$0x3FB7];
	_ =	sdelay $0x3  }
0x33: {  	p0 =	seq.s32 s10, $0x1;
	s10 =	sld [smem:$0x3FB9];
	_ =	sdelay $0x3  }
0x34: {  	[smem:$0x3FB9] =	sst s10  }
0x35: {  	s10 =	sld [smem:$0x3FB8];
	_ =	sdelay $0x3  }
0x36: {  	p1 =	seq.s32 s10, $0x1;
	s10 =	sld [smem:$0x3FB9];
	_ =	sdelay $0x3  }
0x37: {  	[smem:$0x3FB9] =	sst s10  }
0x38: {  	s10 =	sld [smem:$0x3FBA]  }
0x39: {  	_ = 	snop;
	(pc) =	sbr.ind lr, $3  }
0x3a: {  	_ = 	snop  }
0x3b: {  	_ = 	snop  }
0x3c: {  	p2 =	seq.s32 s10, $0x1;
	s10 =	sld [smem:$0x3FB9]  }
0x3d: {  	_ =	shalt  }
0x3e: {  	_ =	shalt  }
0x3f: {  	_ =	shalt  }
0x40: {  	_ =	shalt  }
0x41: {  	_ =	shalt  }
0x42: {  	_ =	shalt  }
0x43: {  	_ =	shalt  }
0x44: {  	_ =	shalt  }
0x45: {  	_ =	shalt  }
0x46: {  	_ =	shalt  }
0x47: {  	_ =	shalt  }
0x48: {  	_ =	shalt  }
0x49: {  	_ =	shalt  }
0x4a: {  	_ =	shalt  }
0x4b: {  	_ =	shalt  }
0x4c: {  	_ =	shalt  }
0x4d: {  	_ =	shalt  }
0x4e: {  	_ =	shalt  }
0x4f: {  	_ =	shalt  }
0x50: {  	_ =	shalt  }
0x51: {  	_ =	shalt  }
0x52: {  	_ =	shalt  }
0x53: {  	_ =	shalt  }
0x54: {  	_ =	shalt  }
0x55: {  	_ =	shalt  }
0x56: {  	_ =	shalt  }
0x57: {  	_ =	shalt  }
0x58: {  	_ =	shalt  }
0x59: {  	_ =	shalt  }
0x5a: {  	_ =	shalt  }
0x5b: {  	_ =	shalt  }
0x5c: {  	_ =	shalt  }
0x5d: {  	_ =	shalt  }
0x5e: {  	_ =	shalt  }
0x5f: {  	_ =	shalt  }
0x60: {  	_ =	shalt  }
0x61: {  	_ =	shalt  }
0x62: {  	_ =	shalt  }
0x63: {  	_ =	shalt  }
0x64: {  	_ =	shalt  }
0x65: {  	_ =	shalt  }
0x66: {  	_ =	shalt  }
0x67: {  	_ =	shalt  }
0x68: {  	_ =	shalt  }
0x69: {  	_ =	shalt  }
0x6a: {  	_ =	shalt  }
0x6b: {  	_ =	shalt  }
0x6c: {  	_ =	shalt  }
0x6d: {  	_ =	shalt  }
0x6e: {  	_ =	shalt  }
0x6f: {  	_ =	shalt  }
0x70: {  	_ =	shalt  }
0x71: {  	_ =	shalt  }
0x72: {  	_ =	shalt  }
0x73: {  	_ =	shalt  }
0x74: {  	_ =	shalt  }
0x75: {  	_ =	shalt  }
0x76: {  	_ =	shalt  }
0x77: {  	_ =	shalt  }
0x78: {  	_ =	shalt  }
0x79: {  	_ =	shalt  }
0x7a: {  	_ =	shalt  }
0x7b: {  	_ =	shalt  }
0x7c: {  	_ =	shalt  }
0x7d: {  	_ =	shalt  }
0x7e: {  	_ =	shalt  }
0x7f: {  	_ =	shalt  }
0x80: {  	_ =	shalt  }
0x81: {  	_ =	shalt  }
0x82: {  	_ =	shalt  }
0x83: {  	_ =	shalt  }
0x84: {  	_ =	shalt  }
0x85: {  	_ =	shalt  }
0x86: {  	_ =	shalt  }
0x87: {  	_ =	shalt  }
.Lfunc_end0:
.L_simem_size_0:
called_computation_lowered:
.L_overlay_start_0:
0x88: {  	s2 =	sld [smem:$0x3FD9]  }
0x89: {  	s3 =	sld [smem:$0x3FFE];
	_ =	sdelay $0x1  }
0x8a: {  	s1 =	srdreg.scid  }
0x8b: {  	s0 =	sand.u32 $0x1, s1  }
0x8c: {  	s17 =	sshll.u32 s0, $0xA;
	s2 =	sadd.s32 s3, s2  }
0x8d: {  	s2 =	sadd.s32 s2, s17  }
0x8e: {  	[smem:$0x3FC5] =	sst s2  }
0x8f: {  	_ = 	snop  }
0x90: {  	s2 =	sld [smem:$0x3FD0];
	(tm) =	ssettm $0x1  }
0x91: {  	s18 =	sld [smem:$0x3FFB];
	_ =	sdelay $0x3  }
0x92: {  	_ =	strace s18  }
0x93: {  	s3 =	sld [smem:$0x3FFC];
	_ =	sdelay $0x3  }
0x94: {  	_ =	strace s3  }
0x95: {  	s3 =	sld [smem:$0x3FFD];
	_ =	sdelay $0x3  }
0x96: {  	_ =	strace s3  }
0x97: {  	_ =	strace $0x8FFFFFFF  }
0x98: {  	s19 =	sld [smem:$0x3FDB];
	_ =	sdelay $0x1  }
0x99: {  	s4 =	simm.s32 $_scs_section_size  }
0x9a: {  	s5 =	simm.s32 $_size__tile_overlayer_lowered;
	s6 =	simm.s32 $_tile_overlayer_lowered  }
0x9b: {  	s22 =	simm.s32 $0x1BFF;
	s21 =	sshll.u32 s6, $0x1;
	s3 =	sadd.s32 s4, s19  }
0x9c: {  	s7 =	simm.s32 $0x0;
	s20 =	sshll.u32 s5, $0x1;
	s5 =	sadd.s32 s21, s3  }
0x9d: {  	[timem:s7], [sflag:s22] =	dma.local [hbm:s5], s20  }
0x9e: {  	_ =	swait.ge [sflag:s22], s20  }
0x9f: {  	s4 =	ssub.s32 $0x0, s20;
	[sflag:s22] =	ssyncset.done $0x0  }
0xa0: {  	[sflag:s22] =	ssyncadd.s32 s4;
	_ =	sdelay $0x1  }
0xa1: {  	s23 =	simm.s32 $0x1B8B  }
0xa2: {  	_ =	swait.ge [sflag:s23], $0x1  }
0xa3: {  	[sflag:s23] =	ssyncset.done $0x0  }
0xa4: {  	s25 =	simm.s32 $0x1B8E;
	s24 =	sld [smem:$0x3FFE];
	[sflag:s23] =	ssyncadd.s32 $0xFFFFFFFF  }
0xa5: {  	s26 =	simm.s32 $execute0_lowered;
	[smem:$0x3FD2] =	sst s25  }
0xa6: {  	s5 =	sshll.u32 s26, $0x1;
	_ =	strace $0x80000046;
	[dreg:$0x1] =	wrdreg $0xFFFFFFFF  }
0xa7: {  	s28 =	simm.s32 $_size_execute0_lowered;
	s3 =	sadd.s32 s3, s5;
	[dreg:$0x0] =	wrdreg $0x0  }
0xa8: {  	s5 =	sshll.u32 s28, $0x1;
	[dreg:$0x2] =	wrdreg s3  }
0xa9: {  	[dreg:$0x3] =	wrdreg s5  }
0xaa: {  	[dreg:$0x4] =	wrdreg $0xC0  }
0xab: {  	_ =	task [dreg:s7], $0x5FFFF  }
0xac: {  	[dreg:$0x1] =	wrdreg $0xFFFFFFFF  }
0xad: {  	[dreg:$0x0] =	wrdreg $0x60  }
0xae: {  	[dreg:$0x2] =	wrdreg s24  }
0xaf: {  	[dreg:$0x3] =	wrdreg s2  }
0xb0: {  	[dreg:$0x4] =	wrdreg $0x9  }
0xb1: {  	_ =	task.clear_ibuf [dreg:s7], $0x5FFFF;
	_ =	strace $0x90000046  }
0xb2: {  	s29 =	simm.s32 $0x9;
	_ =	strace $0x80000048  }
0xb3: {  	_ =	swait.ge [sflag:s29], $0x1  }
0xb4: {  	[sflag:s29] =	ssyncadd.s32 $0xFFFFFFFF  }
0xb5: {  	_ =	strace $0x90000048  }
0xb6: {  	_ =	sfence  }
0xb7: {  	s30 =	sld [smem:$0x0];
	_ =	sdelay $0x2  }
0xb8: {  	s31 =	sshll.u32 s1, $0xD;
	s1 =	sshrl.u32 s1, $0x2  }
0xb9: {  	s3 =	sand.u32 $0x4000, s31;
	s1 =	sadd.s32 s1, s30  }
0xba: {  	s0 =	sor.u32 s3, s0;
	s1 =	sshll.u32 s1, $0x11  }
0xbb: {  	s0 =	sor.u32 s1, s0  }
0xbc: {  	s0 =	sadd.s32 $0x8F2B, s0  }
0xbd: {  	[sflag:s0] =	ssyncadd.remote.s32 $0x1  }
0xbe: {  	_ =	sfence.sel $0xFFFF  }
0xbf: {  	[dreg:$0x0] =	wrdreg $0xFFFFFFFF;
	(pc) =	sbr.abs _section_cstart, $3  }
0xc0: {  	[dreg:$0x1] =	wrdreg $0xFFFFFFFF  }
0xc1: {  	_ =	task.clear_ibuf [dreg:s7], $0x2FFFF;
	_ =	strace $0x9FFFFFFF  }
0xc2: {  	(tm) =	ssettm $0x7FFFFFFF  }
0xc3: {  	_ =	shalt  }
tec
execute0_lowered:
.L_overlay_start_1:
0x0: {  	(tag) =	ssettag $0x1  }
0x1: {  	s6 =	rddreg [dreg:$0x0]  }
0x2: {  	s1 =	rddreg [dreg:$0x1];
	s2 =	simm.s32 $0x0  }
0x3: {  	[smem:$0x7FF] =	sst s2  }
0x4: {  	s0 =	rddreg [dreg:$0x2];
	v0 =	vimm.f32 $1.100000000e+01;
	_ =	strace $0x80000047  }
0x5: {  	(erf) = vrcp.f32 v0  }
0x6: {  	s3 =	srdreg.scid  }
0x7: {  	s4 =	sand.u32 $0x1, s3;
	s3 =	stileid.u32  }
0x8: {  	s5 =	sshll.u32 s3, $0x1;
	s7 =	ssub.s32 $0x0, s4  }
0x9: {  	p0 =	sne.s32 s5, s7  }
.Ltmp0:
0xa: {  	_ = 	snop;
	(pc) =	sbr.rel @p0 .LBB2_26-.Ltmp0, $2  }
0xb: {  	_ =	sdelay $0x2  }
0xc: {  	v0 =	vpop (erf)  }
0xd: {  	s7 =	ssub.s32 $0x2, s4  }
.Ltmp1:
0xe: {  	s4 =	sadd.s32 $0x2000, s6;
	v1 =	vimm.s32 $0x0;
	s5 =	sadd.s32 $0x200, s6;
	(pc) =	sbr.rel .LBB2_2-.Ltmp1, $4  }
0xf: {  	s6 =	sadd.s32 $0x2A00, s6;
	v2 =	vlaneseq.u32;
	vm0 =	vcmask $0xB08;
	vm1 =	vcmask $0x300;
	s9 =	simm.s32 $0x1;
	s10 =	simm.s32 $0x16900  }
0x10: {  	s11 =	simm.s32 $0x16100;
	s12 =	simm.s32 $0x13900;
	v5 =	vimm.f32 $0.0e+00;
	vm2 =	vcmask $0x2B00;
	s8 =	sshrl.u32 s7, $0x1;
	v3 =	vmul.u32 $0x8000, v2  }
0x11: {  	s13 =	simm.s32 $0x14D00;
	s14 =	simm.s32 $0x16980;
	v4 =	vshrl.u32 v2, $0x1;
	vm0 =	vmor vm1, vm0;
	vm1 =	vcmask $0x1310;
	s7 =	ssub.s32 s7, s8  }
0x12: {  	s15 =	simm.s32 $0x0;
	v5 =	vsel vm2, $0x3F800000, v5;
	s8 =	simm.s32 $0x4E80;
	vm0 =	vmor vm0, vm1;
	vm1 =	vmmov $0x3f;
	s7 =	smax.u32 s7, $0x1  }
.LBB2_15:
0x13: {  	v8 =	vmovc v9;
	v11 =	vimm.f32 $0.0e+00;
	v15 =	vimm.f32 $0.0e+00;
	v12 =	vmov v16  }
.LBB2_24:
0x14: {  	_ =	sdelay $0x1  }
0x15: {  	(erf) = vrcp.f32 @p0 v10  }
0x16: {  	v60 =	vcvt.s32.f32 v12;
	_ =	sdelay $0x1  }
0x17: {  	(erf) = vrcp.f32 v60  }
0x18: {  	v10 =	vmov @p1 v19  }
0x19: {  	v16 =	vcvt.s32.f32 @p1 v10  }
0x1a: {  	v17 =	vpop @p1 (erf);
	v11 =	vmax.f32 @p2 v11, v14;
	v12 =	vmov @p0 v18  }
0x1b: {  	vm2 =	vlt.s32 @p2 v13, v6;
	v9 =	vpsel p0, v12, v9;
	v12 =	vmul.f32 @p1 v16, v17  }
0x1c: {  	v13 =	vsel @p2 vm2, v15, v11;
	v11 =	vpsel p2, v11, v7;
	v14 =	vcvt.s32.f32 @p0 v9  }
0x1d: {  	v10 =	vpsel p1, v10, v0;
	v13 =	vpsel p2, v13, v7;
	v12 =	vpsel p1, v12, v0;
	v15 =	vpop @p0 (erf)  }
0x1e: {  	vm2 =	vlt.s32 @p1 v10, v6;
	v11 =	vmax.f32 @p1 v11, v12;
	v10 =	vmul.f32 @p0 v14, v15  }
0x1f: {  	v61 =	vcvt.s32.f32 v8;
	v9 =	vpsel p0, v9, v0;
	v12 =	vsel @p1 vm2, v13, v11  }
0x20: {  	v11 =	vpsel p1, v11, v7;
	vm2 =	vlt.s32 @p0 v9, v6;
	v10 =	vpsel p0, v10, v0;
	v62 =	vpop (erf)  }
0x21: {  	v12 =	vpsel p1, v12, v7;
	v10 =	vmax.f32 @p0 v11, v10;
	v63 =	vmul.f32 v61, v62  }
0x22: {  	v11 =	vsel @p0 vm2, v12, v10;
	v10 =	vpsel p0, v10, v7  }
0x23: {  	vm2 =	vlt.s32 v8, v6;
	v7 =	vpsel p0, v11, v7;
	v9 =	vmax.f32 v10, v63  }
0x24: {  	v6 =	vsel vm2, v7, v9  }
0x25: {  	v6 =	vmul.f32 v5, v6  }
.LBB2_25:
0x26: {  	_ = 	snop  }
0x27: {  	(xrf2) =	vadd.scan.msk.f32 $0xffff, v6;
	_ =	sdelay $0x9  }
0x28: {  	v6, _, _ =	vpop (xrf2)  }
0x29: {  	v6 =	vbroadcast v6, $0xF;
	_ =	sdelay $0x1  }
0x2a: {  	s15 =	sadd.s32 $0x1, s15;
	v6 =	vmul.f32 v6, v0  }
0x2b: {  	p0 =	sne.s32 s15, s7  }
.Ltmp2:
0x2c: {  	[tilespmem:$0x16980] =	vst v6;
	(pc) =	sbr.rel @!p0 .LBB2_26-.Ltmp2, $4  }
0x2d: {  	[hbm4b:s1+s2] =	stream.linear.scatter [tilespmem:s14], [sflag:$0x1], $0x80, $0x38;
	[tilespmem:$0x16A00] =	vst v63  }
0x2e: {  	_ =	swait.ge [sflag:s9], $0x80  }
0x2f: {  	[sflag:s9] =	ssyncset.done $0x0  }
0x30: {  	[sflag:s9] =	ssyncadd.s32 $0xFFFFFF80  }
.LBB2_2:
0x31: {  	s16 =	simm.s32 $0x0  }
0x32: {  	[tilespmem:s8], [sflag:$0x1] =	stream.linear.gather [hbm4b:s5+s16], $0xEA80, $0x38;
	[tilespmem:$0x16A00] =	vst v63  }
0x33: {  	_ =	swait.ge [sflag:s9], $0xEA80  }
0x34: {  	[sflag:s9] =	ssyncset.done $0x0  }
0x35: {  	[sflag:s9] =	ssyncadd.s32 $0xFFFF1580  }
0x36: {  	[tilespmem:s10], [sflag:$0x1] =	stream.linear.gather [hbm4b:s6+s16], $0x80, $0x38;
	[tilespmem:$0x16A00] =	vst v63  }
0x37: {  	_ =	swait.ge [sflag:s9], $0x80  }
0x38: {  	[sflag:s9] =	ssyncset.done $0x0  }
0x39: {  	s17 =	simm.s32 $0x40;
	s18 =	simm.s32 $0x0;
	[sflag:s9] =	ssyncadd.s32 $0xFFFFFF80  }
.LBB2_3:
0x3a: {  	p0 =	sne.s32 s17, $0x4E00;
	[tilespmem:s18+$0x13900] =	vst v1;
	s18 =	smov.u32 s17;
	s17 =	sadd.s32 $0x40, s17  }
.Ltmp3:
0x3b: {  	(pc) =	sbr.rel @p0 .LBB2_3-.Ltmp3, $2  }
0x3c: {  	_ =	sdelay $0x2  }
0x3d: {  	s18 =	sshra.s32 s18, $0x2  }
0x3e: {  	[tilespmem:s18+$0x13900] =	vst v1;
	s17 =	simm.s32 $0x0  }
.LBB2_5:
0x3f: {  	s18 =	smul.u32 $0x7D0, s17  }
0x40: {  	v6 =	vor.u32 s16, v2  }
0x41: {  	v7 =	vmul.u32 $0x3, v6;
	s18 =	sshrl.u32 s18, $0x3  }
0x42: {  	s19 =	simm.s32 $0x0;
	s18 =	sadd.s32 s4, s18  }
0x43: {  	[tilespmem:s11], [sflag:$0x1] =	stream.linear.gather [hbm4b:s18+s19], $0x7D0, $0x38;
	[tilespmem:$0x16A00] =	vst v63  }
0x44: {  	_ =	swait.ge [sflag:s9], $0x7D0  }
0x45: {  	[sflag:s9] =	ssyncset.done $0x0  }
0x46: {  	[sflag:s9] =	ssyncadd.s32 $0xFFFFF830  }
0x47: {  	s20 =	simm.s32 $0x0;
	v9 =	vld.idx.msk [tilespmem:v7+s8+$0x0], $0xffff  }
0x48: {  	v8 =	vld [tilespmem:s20+$0x16100]  }
0x49: {  	s19 =	sadd.s32 $0x10, s16  }
0x4a: {  	s18 =	simm.s32 $0x40;
	v7 =	vor.u32 s19, v2;
	s20 =	simm.s32 $0x80  }
.LBB2_6:
0x4b: {  	p0 =	sne.s32 s20, $0x1F00;
	v10 =	vmul.u32 $0x3, v7;
	_ =	sdelay $0x1  }
0x4c: {  	v9 =	vand.u32 $0xFFF8, v9  }
0x4d: {  	vm2 =	vlt.u32 v9, $0x1388  }
0x4e: {  	v9 =	vnsel vm2, $0x7FFF, v6;
	v6 =	vmov v7  }
.Ltmp4:
0x4f: {  	[tilespmem:v8+s2+$0x0] =	vst.idx.msk $0xffff, v9;
	(pc) =	sbr.rel @p0 .LBB2_6-.Ltmp4, $4  }
0x50: {  	s21 =	sshra.s32 s18, $0x2;
	s18 =	smov.u32 s20;
	v9 =	vld.idx.msk [tilespmem:v10+s8+$0x0], $0xffff  }
0x51: {  	v8 =	vld [tilespmem:s21+$0x16100]  }
0x52: {  	s19 =	sadd.s32 $0x10, s19  }
0x53: {  	s20 =	sadd.s32 $0x40, s20;
	v7 =	vor.u32 s19, v2  }
0x54: {  	_ =	sdelay $0x1  }
0x55: {  	v10 =	vmul.u32 $0x3, v7  }
0x56: {  	v9 =	vand.u32 $0xFFF8, v9  }
0x57: {  	vm2 =	vlt.u32 v9, $0x1388  }
0x58: {  	v6 =	vnsel vm2, $0x7FFF, v6  }
0x59: {  	s18 =	sshra.s32 s18, $0x2;
	[tilespmem:v8+s2+$0x0] =	vst.idx.msk $0xffff, v6  }
0x5a: {  	v8 =	vld [tilespmem:s18+$0x16100]  }
0x5b: {  	v6 =	vld.idx.msk [tilespmem:v10+s8+$0x0], $0xffff;
	_ =	sdelay $0x1  }
0x5c: {  	s17 =	sadd.s32 $0x1, s17  }
0x5d: {  	p0 =	seq.s32 s17, $0xA  }
.Ltmp5:
0x5e: {  	_ = 	snop;
	(pc) =	sbr.rel @!p0 .LBB2_5-.Ltmp5, $4  }
0x5f: {  	v6 =	vand.u32 $0xFFF8, v6  }
0x60: {  	vm2 =	vlt.u32 v6, $0x1388  }
0x61: {  	v6 =	vnsel vm2, $0x7FFF, v7  }
0x62: {  	s16 =	sadd.s32 $0x7D0, s16;
	[tilespmem:v8+s2+$0x0] =	vst.idx.msk $0xffff, v6  }
0x63: {  	s16 =	simm.s32 $0x0  }
0x64: {  	v6 =	vld [tilespmem:s16+$0x0];
	_ =	sdelay $0x4  }
0x65: {  	vm2 =	vlt.s32 v6, $0x7FFF  }
0x66: {  	v7 =	vsel vm2, $0x1, v1  }
0x67: {  	(xrf0) =	vadd.scan.msk.s32 $0xffff, v7;
	_ =	sdelay $0x2  }
0x68: {  	v7 =	vmov s16  }
0x69: {  	v7 =	vadd.s32 $0xFFFFFFFF, v7  }
0x6a: {  	v7 =	vbroadcast v7, $0x0  }
0x6b: {  	v8, _, _ =	vpop (xrf0)  }
0x6c: {  	v7 =	vadd.s32 v8, v7;
	(v2sf) =	vpush v8, $0xF  }
0x6d: {  	v7 =	vnsel vm2, $0x0, v7  }
0x6e: {  	v9 =	vmov s16  }
0x6f: {  	v9 =	vshll.u32 v9, $0xF  }
0x70: {  	v9 =	vor.u32 v3, v9  }
0x71: {  	v6 =	vadd.s32 v9, v6  }
0x72: {  	s17 =	simm.s32 $0x10;
	[tilespmem:v7+s2+$0x0] =	vst.idx.msk vm2, v6  }
0x73: {  	s18 =	simm.s32 $0x20;
	s19 =	simm.s32 $0x10;
	v6 =	vld [tilespmem:s17+$0x0]  }
.LBB2_9:
0x74: {  	p0 =	seq.s32 s18, $0x4E10  }
0x75: {  	v7 =	vmov s17;
	s17 =	smov.u32 s18  }
0x76: {  	v7 =	vshll.u32 v7, $0xF  }
0x77: {  	v7 =	vor.u32 v3, v7  }
0x78: {  	vm2 =	vlt.s32 v6, $0x7FFF;
	v6 =	vadd.s32 v7, v6  }
0x79: {  	v7 =	vsel vm2, $0x1, v1  }
0x7a: {  	(xrf0) =	vadd.scan.msk.s32 $0xffff, v7  }
0x7b: {  	s20 =	spop (v2sf)  }
0x7c: {  	s16 =	sadd.s32 s16, s20  }
0x7d: {  	v7 =	vmov s16  }
0x7e: {  	v7 =	vadd.s32 $0xFFFFFFFF, v7  }
0x7f: {  	v7 =	vbroadcast v7, $0x0  }
0x80: {  	v8, _, _ =	vpop (xrf0)  }
0x81: {  	v7 =	vadd.s32 v8, v7;
	(v2sf) =	vpush v8, $0xF  }
0x82: {  	v7 =	vnsel vm2, $0x0, v7;
	_ =	sdelay $0x1  }
.Ltmp6:
0x83: {  	(pc) =	sbr.rel @!p0 .LBB2_9-.Ltmp6, $3  }
0x84: {  	_ =	sdelay $0x1  }
0x85: {  	s19 =	sadd.s32 $0x10, s19;
	[tilespmem:v7+s2+$0x0] =	vst.idx.msk vm2, v6  }
0x86: {  	s18 =	sadd.s32 $0x10, s18;
	v6 =	vld [tilespmem:s19+$0x0]  }
0x87: {  	_ =	sdelay $0x3  }
0x88: {  	vm2 =	vlt.s32 v6, $0x7FFF  }
0x89: {  	v7 =	vsel vm2, $0x1, v1  }
0x8a: {  	(xrf0) =	vadd.scan.msk.s32 $0xffff, v7;
	_ =	sdelay $0x5  }
0x8b: {  	v7, _, _ =	vpop (xrf0)  }
0x8c: {  	(v2sf) =	vpush v7, $0xF;
	_ =	sdelay $0x8  }
0x8d: {  	s18 =	spop (v2sf)  }
0x8e: {  	s16 =	sadd.s32 s16, s18  }
0x8f: {  	v8 =	vmov s16  }
0x90: {  	v8 =	vadd.s32 $0xFFFFFFFF, v8  }
0x91: {  	v8 =	vbroadcast v8, $0x0;
	_ =	sdelay $0x1  }
0x92: {  	v7 =	vadd.s32 v7, v8;
	v8 =	vmov s17;
	s17 =	spop (v2sf)  }
0x93: {  	s18 =	sadd.s32 s16, s17  }
0x94: {  	v7 =	vnsel vm2, $0x0, v7;
	p0 =	slt.s32 s18, $0x1  }
.Ltmp7:
0x95: {  	_ = 	snop;
	(pc) =	sbr.rel @p0 .LBB2_25-.Ltmp7, $4  }
0x96: {  	v8 =	vshll.u32 v8, $0xF  }
0x97: {  	v8 =	vor.u32 v3, v8  }
0x98: {  	v6 =	vadd.s32 v8, v6  }
0x99: {  	[tilespmem:v7+s2+$0x0] =	vst.idx.msk vm2, v6;
	v6 =	vimm.f32 $0.0e+00  }
0x9a: {  	s16 =	sadd.s32 s16, s17;
	s18 =	simm.s32 $0x0;
	s17 =	simm.s32 $0x0  }
.LBB2_12:
0x9b: {  	v7 =	vmov s17;
	_ =	sdelay $0x4  }
0x9c: {  	v7 =	vld.idx.msk [tilespmem:v7+s2+$0x0], $0xffff;
	_ =	sdelay $0x4  }
0x9d: {  	(v2sf) =	vpush v7, $0x0;
	_ =	sdelay $0xe  }
0x9e: {  	s20 =	spop (v2sf)  }
0x9f: {  	s19 =	sand.u32 $0x7FFF, s20  }
0xa0: {  	s19 =	smul.u32 $0x3, s19;
	_ =	sdelay $0x1  }
0xa1: {  	v7 =	vadd.s32 s19, v4  }
0xa2: {  	v7 =	vnsel vm1, $0x0, v7;
	_ =	sdelay $0x4  }
0xa3: {  	v7 =	vld.idx.msk [tilespmem:v7+s8+$0x0], $0xffff;
	_ =	sdelay $0x4  }
0xa4: {  	v8 =	vand.u32 $0xFFFF, v7;
	v7 =	vshrl.u32 v7, $0x10  }
0xa5: {  	v7 =	vsel vm0, v8, v7  }
0xa6: {  	v7 =	vnsel vm1, $0x1388, v7  }
0xa7: {  	vm2 =	vlt.u32 v7, $0x1388  }
0xa8: {  	v8 =	vnsel vm2, $0x0, v7;
	_ =	sdelay $0x4  }
0xa9: {  	v8 =	vld.idx.msk [tilespmem:v8+s12+$0x0], $0xffff;
	_ =	sdelay $0x4  }
0xaa: {  	vm3 =	veq.s32 v8, $0x0  }
0xab: {  	vm2 =	vmand vm3, vm2  }
0xac: {  	v8 =	vmpcnt.ones.xlane vm2;
	_ =	sdelay $0x1  }
0xad: {  	v8 =	vxor.u32 $0x80000000, v8  }
0xae: {  	(xrf0) =	vmax.scan.msk.u32 $0xffff, v8;
	_ =	sdelay $0x5  }
0xaf: {  	v8, _, _ =	vpop (xrf0)  }
0xb0: {  	(v2sf) =	vpush v8, $0xF;
	_ =	sdelay $0xe  }
0xb1: {  	s21 =	spop (v2sf)  }
0xb2: {  	v8 =	vmctz.xlane vm2;
	p0 =	slt.u32 s21, $0x80000001  }
0xb3: {  	v9 =	vlaneseq.u32 @!p0  }
0xb4: {  	v7 =	vor.u32 @!p0 $0x80000000, v7;
	vm2 =	veq.s32 @!p0 v8, v9  }
0xb5: {  	v7 =	vnsel @!p0 vm2, $0x80000000, v7  }
0xb6: {  	(xrf0) =	vmax.scan.msk.u32 @!p0 $0xffff, v7;
	_ =	sdelay $0x5  }
0xb7: {  	v7, _, _ =	vpop @!p0 (xrf0)  }
0xb8: {  	(v2sf) =	vpush @!p0 v7, $0xF;
	_ =	sdelay $0xe  }
0xb9: {  	s22 =	spop @!p0 (v2sf)  }
0xba: {  	s19 =	smov.u32 s18;
	s18 =	sxor.u32 @!p0 $0x80000000, s22  }
0xbb: {  	s17 =	sadd.s32 $0x1, s17;
	v7 =	vmov @!p0 s18;
	s18 =	sadd.s32 @!p0 $0x1, s19  }
0xbc: {  	p1 =	sgt.u32 s21, $0x80000000;
	v8 =	vmov @!p0 s18;
	s18 =	sshrl.u32 @!p0 s20, $0xF;
	s20 =	simm.s32 $0x1  }
0xbd: {  	s20 =	simm.s32 @!p1 $0x0;
	p1 =	sne.s32 s16, s17  }
.Ltmp8:
0xbe: {  	_ = 	snop;
	(pc) =	sbr.rel @p1 .LBB2_12-.Ltmp8, $4  }
0xbf: {  	_ = 	snop  }
0xc0: {  	v9 =	vimm.s32 @!p0 $0x1;
	s22 =	simm.s32 @!p0 $0x13900;
	s18 =	sadd.s32 @!p0 $0x1, s18  }
0xc1: {  	[tilespmem:v7+s22+$0x0] =	vst.idx.msk @!p0 $0x1, v9;
	v7 =	vmov @!p0 s18;
	s18 =	simm.s32 @!p0 $0x14D00  }
0xc2: {  	[tilespmem:v8+s18+$0x0] =	vst.idx.msk @!p0 $0x1, v7;
	s18 =	sadd.s32 s20, s19  }
0xc3: {  	p0 =	slt.s32 s18, $0x1  }
.Ltmp9:
0xc4: {  	_ = 	snop;
	(pc) =	sbr.rel @p0 .LBB2_25-.Ltmp9, $1  }
0xc5: {  	_ =	sdelay $0x3  }
0xc6: {  	s16 =	sadd.s32 s20, s19  }
0xc7: {  	v9 =	vmov s16;
	_ =	sdelay $0x3  }
0xc8: {  	p3 =	sne.s32 s16, $0x1  }
.Ltmp10:
0xc9: {  	v16 =	vld.idx.msk [tilespmem:v9+s13+$0x0], $0xffff;
	(pc) =	sbr.rel @!p3 .LBB2_15-.Ltmp10, $3  }
0xca: {  	v6 =	vld [tilespmem:$0x16900];
	_ =	sdelay $0x1  }
0xcb: {  	p0 =	por $0x0, $0x0  }
0xcc: {  	v7 =	vimm.f32 $0.0e+00;
	p1 =	por $0x0, $0x0;
	p2 =	por $0x0, $0x0;
	s16 =	sadd.s32 $0xFFFFFFFF, s16  }
0xcd: {  	v8 =	vmov s16  }
0xce: {  	p3 =	sne.s32 s16, $0x1  }
.Ltmp11:
0xcf: {  	_ = 	snop;
	(pc) =	sbr.rel @!p3 .LBB2_17-.Ltmp11, $3  }
0xd0: {  	_ =	sdelay $0x1  }
0xd1: {  	v12 =	vld.idx.msk [tilespmem:v8+s13+$0x0], $0xffff  }
0xd2: {  	s16 =	sadd.s32 $0xFFFFFFFF, s16;
	v10 =	vcvt.s32.f32 v16;
	p0 =	por $0x1, $0x1  }
0xd3: {  	v16 =	vmov s16;
	p3 =	sne.s32 s16, $0x1  }
.Ltmp12:
0xd4: {  	_ = 	snop;
	(pc) =	sbr.rel @!p3 .LBB2_19-.Ltmp12, $2  }
0xd5: {  	_ =	sdelay $0x2  }
0xd6: {  	s16 =	sadd.s32 $0xFFFFFFFF, s16;
	p1 =	por $0x1, $0x1;
	(erf) = vrcp.f32 v10;
	v10 =	vcvt.s32.f32 v12;
	v20 =	vld.idx.msk [tilespmem:v16+s13+$0x0], $0xffff  }
0xd7: {  	_ =	sdelay $0x2  }
0xd8: {  	v17 =	vmov s16  }
0xd9: {  	p3 =	sne.s32 s16, $0x1  }
.Ltmp13:
0xda: {  	(erf) = vrcp.f32 v10;
	(pc) =	sbr.rel @!p3 .LBB2_21-.Ltmp13, $4  }
0xdb: {  	_ = 	snop  }
0xdc: {  	v11 =	vcvt.s32.f32 v9  }
0xdd: {  	v15 =	vimm.f32 $0.0e+00;
	v12 =	vld.idx.msk [tilespmem:v17+s13+$0x0], $0xffff;
	v13 =	vpop (erf)  }
0xde: {  	s16 =	sadd.s32 $0xFFFFFFFF, s16;
	p2 =	por $0x1, $0x1;
	v10 =	vcvt.s32.f32 v20;
	v14 =	vmul.f32 v11, v13;
	v11 =	vimm.f32 $0.0e+00;
	v13 =	vmovc v9  }
.LBB2_22:
0xdf: {  	v18 =	vmov s16;
	p3 =	sne.s32 s16, $0x1;
	s16 =	sadd.s32 $0xFFFFFFFF, s16  }
.Ltmp14:
0xe0: {  	vm2 =	vlt.s32 v13, v6;
	v13 =	vmovc v8;
	v8 =	vmovc v16;
	(erf) = vrcp.f32 v10;
	v11 =	vmax.f32 v11, v14;
	(pc) =	sbr.rel @p3 .LBB2_22-.Ltmp14, $4  }
0xe1: {  	v16 =	vmov v17;
	v17 =	vmov v18;
	v15 =	vsel vm2, v15, v11  }
0xe2: {  	v14 =	vcvt.s32.f32 v13  }
0xe3: {  	v19 =	vpop (erf)  }
0xe4: {  	v10 =	vcvt.s32.f32 v12;
	v12 =	vld.idx.msk [tilespmem:v18+s13+$0x0], $0xffff;
	v14 =	vmul.f32 v14, v19  }
.Ltmp15:
0xe5: {  	(pc) =	sbr.rel .LBB2_24-.Ltmp15, $2  }
0xe6: {  	_ =	sdelay $0x2  }
0xe7: {  	v19 =	vmov v8;
	v18 =	vmov v16;
	v8 =	vmov v17  }
.LBB2_17:
.Ltmp16:
0xe8: {  	(pc) =	sbr.rel .LBB2_24-.Ltmp16, $2  }
0xe9: {  	_ =	sdelay $0x2  }
0xea: {  	v18 =	vmov v9;
	v11 =	vimm.f32 $0.0e+00;
	v15 =	vimm.f32 $0.0e+00  }
.LBB2_19:
.Ltmp17:
0xeb: {  	_ = 	snop;
	(pc) =	sbr.rel .LBB2_24-.Ltmp17, $3  }
0xec: {  	_ =	sdelay $0x1  }
0xed: {  	v18 =	vmov v8  }
0xee: {  	v11 =	vimm.f32 $0.0e+00;
	v19 =	vmovc v9;
	v15 =	vimm.f32 $0.0e+00;
	v8 =	vmovc v16;
	v12 =	vmov v20  }
.LBB2_21:
.Ltmp18:
0xef: {  	(pc) =	sbr.rel .LBB2_24-.Ltmp18, $3  }
0xf0: {  	_ =	sdelay $0x1  }
0xf1: {  	v19 =	vmov v8  }
0xf2: {  	v11 =	vimm.f32 $0.0e+00;
	v13 =	vmovc v9;
	v18 =	vmovc v16;
	v15 =	vimm.f32 $0.0e+00;
	v8 =	vmov v17  }
.LBB2_26:
0xf3: {  	_ =	sfence.sel $0x180000  }
0xf4: {  	[bflag:$0x0] =	sbarrier.arrive $0xFFFF  }
0xf5: {  	p0 =	sne.s32 s3, $0x0;
	_ =	strace $0x90000047  }
0xf6: {  	s0 =	sadd.s32 @!p0 $0x100000, s0;
	[bflag:$0x2] =	sbarrier.arrive $0xFFFF  }
0xf7: {  	[sflag:s0] =	ssyncadd.tile.s32 @!p0 $0x1;
	_ =	shalt  }
.Lfunc_end2:
_tile_overlayer_lowered:
.L_overlay_start_2:
0xf8: {  	(tag) =	ssettag $0x2  }
0xf9: {  	s0 =	rddreg [dreg:$0x0];
	s2 =	stileid.u32  }
0xfa: {  	s1 =	rddreg [dreg:$0x1];
	p0 =	sne.s32 s2, $0x0  }
0xfb: {  	s3 =	rddreg [dreg:$0x2];
	[bflag:$0x3] =	sbarrier.arrive $0xFFFF;
	s2 =	simm.s32 @!p0 $0x1C01  }
0xfc: {  	[timem:s3], [sflag:s2] =	dma.local @!p0 [hbm:s0], s1  }
0xfd: {  	s0 =	simm.s32 @!p0 $0x1  }
0xfe: {  	_ =	swait.ge @!p0 [sflag:s0], s1  }
0xff: {  	s1 =	ssub.s32 @!p0 $0x0, s1;
	[sflag:s0] =	ssyncset.done @!p0 $0x0  }
0x100: {  	[sflag:s0] =	ssyncadd.s32 @!p0 s1  }
0x101: {  	[bflag:$0x3] =	sbarrier.arrive $0xFFFF  }
0x102: {  	_ =	shalt  }

</sc_bundles>
